<compile_context>
chip_gen: v7x
topology: tpu7x:2x2x1
jax: 0.10.2.dev20260603
libtpu: 0.0.44.dev20260713+nightly
codegen_flags: <defaults>
</compile_context>

<pallas_src>
import functools

import numpy as np
import jax
import jax.numpy as jnp
from jax import lax
from jax.experimental import pallas as pl
from jax.experimental.pallas import tpu as pltpu
from jax.experimental.pallas import tpu_sc as plsc

_CHUNK = 128


def _dft_weights(D):
    n = np.arange(D)
    ang = 2.0 * np.pi * np.outer(n, n) / D
    return np.cos(ang).astype(np.float32), (-np.sin(ang)).astype(np.float32)


@functools.cache
def _make_gather(V, D, B):
    info = plsc.get_sparse_core_info()
    NC, NS = info.num_cores, info.num_subcores
    NW = NC * NS
    n_ch = B // (NW * _CHUNK)
    mesh = plsc.VectorSubcoreMesh(core_axis_name="c", subcore_axis_name="s")

    GRP = 4
    n_grp = n_ch // GRP
    half = _CHUNK // 2

    @functools.partial(
        pl.kernel,
        mesh=mesh,
        out_type=jax.ShapeDtypeStruct((B // 2, 2 * D), jnp.float32),
        compiler_params=pltpu.CompilerParams(use_tc_tiling_on_sc=False),
        scratch_types=[
            pltpu.VMEM((n_ch, _CHUNK), jnp.int32),
            pltpu.VMEM((2, GRP, _CHUNK, D), jnp.float32),
            pltpu.SemaphoreType.DMA,
            pltpu.SemaphoreType.DMA,
        ],
    )
    def gather(table_hbm, idx_hbm, out_hbm, idx_v, rows_v, sem_g, sem_w):
        wid = lax.axis_index("s") * NC + lax.axis_index("c")
        pltpu.sync_copy(idx_hbm.at[pl.ds(wid * n_ch, n_ch)], idx_v)

        def gather_grp(g, slot):
            for b in range(GRP):
                pltpu.async_copy(table_hbm.at[idx_v.at[g * GRP + b]],
                                 rows_v.at[slot, b], sem_g)

        def out_descs(g, slot):
            ds = []
            for b in range(GRP):
                row0 = (wid * n_ch + g * GRP + b) * half
                ds.append(pltpu.make_async_copy(
                    rows_v.at[slot, b, pl.ds(0, half)],
                    out_hbm.at[pl.ds(row0, half), pl.ds(0, D)], sem_w))
                ds.append(pltpu.make_async_copy(
                    rows_v.at[slot, b, pl.ds(half, half)],
                    out_hbm.at[pl.ds(row0, half), pl.ds(D, D)], sem_w))
            return ds

        def wait_gather_grp(g, slot):
            for b in range(GRP):
                pltpu.make_async_copy(table_hbm.at[idx_v.at[g * GRP + b]],
                                      rows_v.at[slot, b], sem_g).wait()

        gather_grp(0, 0)

        def step(g, slot):
            other = 1 - slot
            wait_gather_grp(g, slot)

            @pl.when(g >= 1)
            def _():
                for d in out_descs(g - 1, other):
                    d.wait()

            @pl.when(g + 1 < n_grp)
            def _():
                gather_grp(g + 1, other)

            for d in out_descs(g, slot):
                d.start()

        def body(gg, carry):
            step(2 * gg, 0)
            step(2 * gg + 1, 1)
            return carry

        lax.fori_loop(0, n_grp // 2, body, 0)
        for d in out_descs(n_grp - 1, (n_grp - 1) % 2):
            d.wait()

    return gather


@functools.cache
def _make_dft_h(B, H, D):
    dn = (((1,), (1,)), ((), ()))
    P = 2 * D

    def body(x_ref, wc_ref, ws_ref, re_ref, im_ref):
        x2 = x_ref[0]
        xe = x2[:, :D]
        xo = x2[:, D:]
        wc = wc_ref[...]
        ws = ws_ref[...]
        re_ref[0] = jnp.concatenate(
            [lax.dot_general(wc, xe, dn, preferred_element_type=jnp.float32),
             lax.dot_general(wc, xo, dn, preferred_element_type=jnp.float32)],
            axis=1)
        im_ref[0] = jnp.concatenate(
            [lax.dot_general(ws, xe, dn, preferred_element_type=jnp.float32),
             lax.dot_general(ws, xo, dn, preferred_element_type=jnp.float32)],
            axis=1)

    return pl.pallas_call(
        body,
        grid=(H,),
        in_specs=[
            pl.BlockSpec((1, B * D // P, P), lambda h: (h, 0, 0)),
            pl.BlockSpec((D, D), lambda h: (0, 0)),
            pl.BlockSpec((D, D), lambda h: (0, 0)),
        ],
        out_specs=[
            pl.BlockSpec((1, D, B), lambda h: (h, 0, 0)),
            pl.BlockSpec((1, D, B), lambda h: (h, 0, 0)),
        ],
        out_shape=[
            jax.ShapeDtypeStruct((H, D, B), jnp.float32),
            jax.ShapeDtypeStruct((H, D, B), jnp.float32),
        ],
    )


def kernel(emb_weight, toks):
    Bt, H = toks.shape
    V, D = emb_weight.shape
    B = Bt * H
    G = _CHUNK // 2
    idxT = jnp.transpose(
        toks.astype(jnp.int32).reshape(2, (Bt // 2) // G, G, H), (3, 1, 0, 2)
    ).reshape(B // _CHUNK, _CHUNK)
    xT = _make_gather(V, D, B)(emb_weight, idxT)
    wc, ws = _dft_weights(D)
    r, i = _make_dft_h(Bt, H, D)(xT.reshape(H, Bt * D // (2 * D), 2 * D),
                                 jnp.asarray(wc.T.copy()),
                                 jnp.asarray(ws.T.copy()))
    return lax.complex(r.transpose(2, 0, 1), i.transpose(2, 0, 1))

# --- scband reference (transcript-rebuilt; emitter-appended) ---
"""Pipeline reference for scband-ffttokenizer-67508295959000 (READ-ONLY COPY).

The authoritative reference and input builder live on the scoring server;
editing this copy changes nothing except your own understanding.
"""

import jax, jax.numpy as jnp
import numpy as np

VOCAB = 1000000
DIM = 64
BATCH = 4096
HIST = 200

def setup_inputs(seed: int = 0) -> dict:
    key = jax.random.key(seed)
    k1, k2 = jax.random.split(key)
    toks = jax.random.randint(k1, (BATCH, HIST), 0, VOCAB)
    emb_weight = jax.random.normal(k2, (VOCAB, DIM), dtype=jnp.float32) * 0.02
    return {"emb_weight": emb_weight, "toks": toks}

def reference(emb_weight, toks):
    # nn.Embedding lookup -> gather rows from the table
    x = jnp.take(emb_weight, toks, axis=0).astype(jnp.float32)
    # torch.fft.fft along last dim -> complex64 output
    xf = jnp.fft.fft(x, axis=-1)
    return xf

if __name__ == "__main__":
    import jax
    _d = setup_inputs()
    print(jax.jit(kernel)(*tuple(_d.values())))

</pallas_src>

<mosaic_0001>
#map = affine_map<(d0, d1) -> (0, 0)>
module attributes {stable_mosaic.version = 14 : i64} {
  func.func @gather(%arg0: i32, %arg1: i32, %arg2: memref<1000000x64xf32, #tpu.memory_space<hbm>>, %arg3: memref<6400x128xi32, #tpu.memory_space<hbm>>, %arg4: memref<409600x128xf32, #tpu.memory_space<hbm>>, %arg5: memref<200x128xi32, #tpu.memory_space<vmem>>, %arg6: memref<2x4x128x64xf32, #tpu.memory_space<vmem>>, %arg7: memref<!tpu.dma_semaphore, #tpu.memory_space<semaphore_mem>>, %arg8: memref<!tpu.dma_semaphore, #tpu.memory_space<semaphore_mem>>) attributes {dimension_semantics = [#tpu.dimension_semantics<core_parallel>, #tpu.dimension_semantics<subcore_parallel>], iteration_bounds = array<i64: 2, 16>, scalar_prefetch = 0 : i64, scratch_operands = 4 : i64, tpu.core_type = #tpu.core_type<sc_vector_subcore>, window_params = [{transform_indices = #map}, {transform_indices = #map}, {transform_indices = #map}]} {
    %mul3A = arith.constant 2 : i32
    %mul3A_0 = arith.muli %arg1, %mul3A : i32
    %add3A = arith.addi %mul3A_0, %arg0 : i32
    %mul3A_1 = arith.constant 200 : i32
    %mul3A_2 = arith.muli %add3A, %mul3A_1 : i32
    "tpu.region"() ({
      %run_scoped3A = tpu.sem_alloc : memref<!tpu.dma_semaphore, #tpu.memory_space<semaphore_mem>>
      %dma_start3A_202 = arith.constant 0 : i32
      %dma_start3A_203 = tpu.memref_slice %arg3[%mul3A_2, %dma_start3A_202] : memref<6400x128xi32, #tpu.memory_space<hbm>> -> memref<200x128xi32, #tpu.memory_space<hbm>>
      %dma_start3A_204 = arith.constant 0 : i32
      %dma_start3A_205 = tpu.memref_slice %arg3[%mul3A_2, %dma_start3A_204] : memref<6400x128xi32, #tpu.memory_space<hbm>> -> memref<200x128xi32, #tpu.memory_space<hbm>>
      tpu.enqueue_dma source(%dma_start3A_205 : memref<200x128xi32, #tpu.memory_space<hbm>>) target(%arg5 : memref<200x128xi32, #tpu.memory_space<vmem>>) target_semaphore(%run_scoped3A : memref<!tpu.dma_semaphore, #tpu.memory_space<semaphore_mem>>)
      %dma_wait3A_206 = arith.constant 0 : i32
      %dma_wait3A_207 = tpu.memref_slice %arg3[%mul3A_2, %dma_wait3A_206] : memref<6400x128xi32, #tpu.memory_space<hbm>> -> memref<200x128xi32, #tpu.memory_space<hbm>>
      %dma_wait3A_208 = arith.constant 0 : i32
      %dma_wait3A_209 = tpu.memref_slice %arg3[%mul3A_2, %dma_wait3A_208] : memref<6400x128xi32, #tpu.memory_space<hbm>> -> memref<200x128xi32, #tpu.memory_space<hbm>>
      tpu.wait_dma2 semaphore(%run_scoped3A : memref<!tpu.dma_semaphore, #tpu.memory_space<semaphore_mem>>) src(%dma_wait3A_209 : memref<200x128xi32, #tpu.memory_space<hbm>>) dst(%arg5 : memref<200x128xi32, #tpu.memory_space<vmem>>)
      tpu.yield
    }) : () -> ()
    %dma_start3A = arith.constant 0 : i32
    %dma_start3A_3 = arith.constant 0 : i32
    %dma_start3A_4 = arith.constant 0 : i32
    %dma_start3A_5 = arith.constant 0 : i32
    %dma_start3A_6 = arith.constant 0 : i32
    %dma_start3A_7 = tpu.memref_slice %arg6[%dma_start3A_3, %dma_start3A_4, %dma_start3A_5, %dma_start3A_6] : memref<2x4x128x64xf32, #tpu.memory_space<vmem>> -> memref<1x1x128x64xf32, #tpu.memory_space<vmem>>
    %dma_start3A_8 = tpu.memref_squeeze %dma_start3A_7 : memref<1x1x128x64xf32, #tpu.memory_space<vmem>> -> memref<128x64xf32, #tpu.memory_space<vmem>>
    %dma_start3A_9 = arith.constant 0 : i32
    %dma_start3A_10 = tpu.memref_slice %arg5[%dma_start3A, %dma_start3A_9] : memref<200x128xi32, #tpu.memory_space<vmem>> -> memref<1x128xi32, #tpu.memory_space<vmem>>
    %dma_start3A_11 = tpu.memref_squeeze %dma_start3A_10 : memref<1x128xi32, #tpu.memory_space<vmem>> -> memref<128xi32, #tpu.memory_space<vmem>>
    %dma_start3A_12 = arith.constant 0 : i32
    %dma_start3A_13 = arith.constant 0 : i32
    %dma_start3A_14 = tpu.memref_slice %arg2[%dma_start3A_12, %dma_start3A_13] : memref<1000000x64xf32, #tpu.memory_space<hbm>> -> memref<1000000x64xf32, #tpu.memory_space<hbm>>
    tpu.enqueue_indirect_dma source(%dma_start3A_14 : memref<1000000x64xf32, #tpu.memory_space<hbm>>) target(%dma_start3A_8 : memref<128x64xf32, #tpu.memory_space<vmem>>) offsets(%dma_start3A_11 : memref<128xi32, #tpu.memory_space<vmem>>) semaphore(%arg7 : memref<!tpu.dma_semaphore, #tpu.memory_space<semaphore_mem>>)
    %dma_start3A_15 = arith.constant 1 : i32
    %dma_start3A_16 = arith.constant 0 : i32
    %dma_start3A_17 = arith.constant 1 : i32
    %dma_start3A_18 = arith.constant 0 : i32
    %dma_start3A_19 = arith.constant 0 : i32
    %dma_start3A_20 = tpu.memref_slice %arg6[%dma_start3A_16, %dma_start3A_17, %dma_start3A_18, %dma_start3A_19] : memref<2x4x128x64xf32, #tpu.memory_space<vmem>> -> memref<1x1x128x64xf32, #tpu.memory_space<vmem>>
    %dma_start3A_21 = tpu.memref_squeeze %dma_start3A_20 : memref<1x1x128x64xf32, #tpu.memory_space<vmem>> -> memref<128x64xf32, #tpu.memory_space<vmem>>
    %dma_start3A_22 = arith.constant 0 : i32
    %dma_start3A_23 = tpu.memref_slice %arg5[%dma_start3A_15, %dma_start3A_22] : memref<200x128xi32, #tpu.memory_space<vmem>> -> memref<1x128xi32, #tpu.memory_space<vmem>>
    %dma_start3A_24 = tpu.memref_squeeze %dma_start3A_23 : memref<1x128xi32, #tpu.memory_space<vmem>> -> memref<128xi32, #tpu.memory_space<vmem>>
    %dma_start3A_25 = arith.constant 0 : i32
    %dma_start3A_26 = arith.constant 0 : i32
    %dma_start3A_27 = tpu.memref_slice %arg2[%dma_start3A_25, %dma_start3A_26] : memref<1000000x64xf32, #tpu.memory_space<hbm>> -> memref<1000000x64xf32, #tpu.memory_space<hbm>>
    tpu.enqueue_indirect_dma source(%dma_start3A_27 : memref<1000000x64xf32, #tpu.memory_space<hbm>>) target(%dma_start3A_21 : memref<128x64xf32, #tpu.memory_space<vmem>>) offsets(%dma_start3A_24 : memref<128xi32, #tpu.memory_space<vmem>>) semaphore(%arg7 : memref<!tpu.dma_semaphore, #tpu.memory_space<semaphore_mem>>)
    %dma_start3A_28 = arith.constant 2 : i32
    %dma_start3A_29 = arith.constant 0 : i32
    %dma_start3A_30 = arith.constant 2 : i32
    %dma_start3A_31 = arith.constant 0 : i32
    %dma_start3A_32 = arith.constant 0 : i32
    %dma_start3A_33 = tpu.memref_slice %arg6[%dma_start3A_29, %dma_start3A_30, %dma_start3A_31, %dma_start3A_32] : memref<2x4x128x64xf32, #tpu.memory_space<vmem>> -> memref<1x1x128x64xf32, #tpu.memory_space<vmem>>
    %dma_start3A_34 = tpu.memref_squeeze %dma_start3A_33 : memref<1x1x128x64xf32, #tpu.memory_space<vmem>> -> memref<128x64xf32, #tpu.memory_space<vmem>>
    %dma_start3A_35 = arith.constant 0 : i32
    %dma_start3A_36 = tpu.memref_slice %arg5[%dma_start3A_28, %dma_start3A_35] : memref<200x128xi32, #tpu.memory_space<vmem>> -> memref<1x128xi32, #tpu.memory_space<vmem>>
    %dma_start3A_37 = tpu.memref_squeeze %dma_start3A_36 : memref<1x128xi32, #tpu.memory_space<vmem>> -> memref<128xi32, #tpu.memory_space<vmem>>
    %dma_start3A_38 = arith.constant 0 : i32
    %dma_start3A_39 = arith.constant 0 : i32
    %dma_start3A_40 = tpu.memref_slice %arg2[%dma_start3A_38, %dma_start3A_39] : memref<1000000x64xf32, #tpu.memory_space<hbm>> -> memref<1000000x64xf32, #tpu.memory_space<hbm>>
    tpu.enqueue_indirect_dma source(%dma_start3A_40 : memref<1000000x64xf32, #tpu.memory_space<hbm>>) target(%dma_start3A_34 : memref<128x64xf32, #tpu.memory_space<vmem>>) offsets(%dma_start3A_37 : memref<128xi32, #tpu.memory_space<vmem>>) semaphore(%arg7 : memref<!tpu.dma_semaphore, #tpu.memory_space<semaphore_mem>>)
    %dma_start3A_41 = arith.constant 3 : i32
    %dma_start3A_42 = arith.constant 0 : i32
    %dma_start3A_43 = arith.constant 3 : i32
    %dma_start3A_44 = arith.constant 0 : i32
    %dma_start3A_45 = arith.constant 0 : i32
    %dma_start3A_46 = tpu.memref_slice %arg6[%dma_start3A_42, %dma_start3A_43, %dma_start3A_44, %dma_start3A_45] : memref<2x4x128x64xf32, #tpu.memory_space<vmem>> -> memref<1x1x128x64xf32, #tpu.memory_space<vmem>>
    %dma_start3A_47 = tpu.memref_squeeze %dma_start3A_46 : memref<1x1x128x64xf32, #tpu.memory_space<vmem>> -> memref<128x64xf32, #tpu.memory_space<vmem>>
    %dma_start3A_48 = arith.constant 0 : i32
    %dma_start3A_49 = tpu.memref_slice %arg5[%dma_start3A_41, %dma_start3A_48] : memref<200x128xi32, #tpu.memory_space<vmem>> -> memref<1x128xi32, #tpu.memory_space<vmem>>
    %dma_start3A_50 = tpu.memref_squeeze %dma_start3A_49 : memref<1x128xi32, #tpu.memory_space<vmem>> -> memref<128xi32, #tpu.memory_space<vmem>>
    %dma_start3A_51 = arith.constant 0 : i32
    %dma_start3A_52 = arith.constant 0 : i32
    %dma_start3A_53 = tpu.memref_slice %arg2[%dma_start3A_51, %dma_start3A_52] : memref<1000000x64xf32, #tpu.memory_space<hbm>> -> memref<1000000x64xf32, #tpu.memory_space<hbm>>
    tpu.enqueue_indirect_dma source(%dma_start3A_53 : memref<1000000x64xf32, #tpu.memory_space<hbm>>) target(%dma_start3A_47 : memref<128x64xf32, #tpu.memory_space<vmem>>) offsets(%dma_start3A_50 : memref<128xi32, #tpu.memory_space<vmem>>) semaphore(%arg7 : memref<!tpu.dma_semaphore, #tpu.memory_space<semaphore_mem>>)
    %scan3A = arith.constant 0 : i32
    %scan3A_54 = arith.constant 0 : i32
    %scan3A_55 = arith.constant 25 : i32
    %scan3A_56 = arith.addi %scan3A_54, %scan3A_55 : i32
    %scan3A_57 = arith.constant 1 : i32
    scf.for %scan3A_202 = %scan3A_54 to %scan3A_56 step %scan3A_57  : i32 {
      %mul3A_203 = arith.constant 2 : i32
      %mul3A_204 = arith.muli %mul3A_203, %scan3A_202 : i32
      %mul3A_205 = arith.constant 4 : i32
      %mul3A_206 = arith.muli %mul3A_204, %mul3A_205 : i32
      %add3A_207 = arith.constant 0 : i32
      %add3A_208 = arith.addi %mul3A_206, %add3A_207 : i32
      %dma_wait3A_209 = arith.constant 0 : i32
      %dma_wait3A_210 = arith.constant 0 : i32
      %dma_wait3A_211 = arith.constant 0 : i32
      %dma_wait3A_212 = arith.constant 0 : i32
      %dma_wait3A_213 = tpu.memref_slice %arg6[%dma_wait3A_209, %dma_wait3A_210, %dma_wait3A_211, %dma_wait3A_212] : memref<2x4x128x64xf32, #tpu.memory_space<vmem>> -> memref<1x1x128x64xf32, #tpu.memory_space<vmem>>
      %dma_wait3A_214 = tpu.memref_squeeze %dma_wait3A_213 : memref<1x1x128x64xf32, #tpu.memory_space<vmem>> -> memref<128x64xf32, #tpu.memory_space<vmem>>
      %dma_wait3A_215 = arith.constant 0 : i32
      %dma_wait3A_216 = tpu.memref_slice %arg5[%add3A_208, %dma_wait3A_215] : memref<200x128xi32, #tpu.memory_space<vmem>> -> memref<1x128xi32, #tpu.memory_space<vmem>>
      %dma_wait3A_217 = tpu.memref_squeeze %dma_wait3A_216 : memref<1x128xi32, #tpu.memory_space<vmem>> -> memref<128xi32, #tpu.memory_space<vmem>>
      %dma_wait3A_218 = arith.constant 0 : i32
      %dma_wait3A_219 = arith.constant 0 : i32
      %dma_wait3A_220 = tpu.memref_slice %arg2[%dma_wait3A_218, %dma_wait3A_219] : memref<1000000x64xf32, #tpu.memory_space<hbm>> -> memref<1000000x64xf32, #tpu.memory_space<hbm>>
      tpu.wait_indirect_dma semaphore(%arg7 : memref<!tpu.dma_semaphore, #tpu.memory_space<semaphore_mem>>) src(%dma_wait3A_220 : memref<1000000x64xf32, #tpu.memory_space<hbm>>) dst(%dma_wait3A_214 : memref<128x64xf32, #tpu.memory_space<vmem>>)
      %mul3A_221 = arith.constant 4 : i32
      %mul3A_222 = arith.muli %mul3A_204, %mul3A_221 : i32
      %add3A_223 = arith.constant 1 : i32
      %add3A_224 = arith.addi %mul3A_222, %add3A_223 : i32
      %dma_wait3A_225 = arith.constant 0 : i32
      %dma_wait3A_226 = arith.constant 1 : i32
      %dma_wait3A_227 = arith.constant 0 : i32
      %dma_wait3A_228 = arith.constant 0 : i32
      %dma_wait3A_229 = tpu.memref_slice %arg6[%dma_wait3A_225, %dma_wait3A_226, %dma_wait3A_227, %dma_wait3A_228] : memref<2x4x128x64xf32, #tpu.memory_space<vmem>> -> memref<1x1x128x64xf32, #tpu.memory_space<vmem>>
      %dma_wait3A_230 = tpu.memref_squeeze %dma_wait3A_229 : memref<1x1x128x64xf32, #tpu.memory_space<vmem>> -> memref<128x64xf32, #tpu.memory_space<vmem>>
      %dma_wait3A_231 = arith.constant 0 : i32
      %dma_wait3A_232 = tpu.memref_slice %arg5[%add3A_224, %dma_wait3A_231] : memref<200x128xi32, #tpu.memory_space<vmem>> -> memref<1x128xi32, #tpu.memory_space<vmem>>
      %dma_wait3A_233 = tpu.memref_squeeze %dma_wait3A_232 : memref<1x128xi32, #tpu.memory_space<vmem>> -> memref<128xi32, #tpu.memory_space<vmem>>
      %dma_wait3A_234 = arith.constant 0 : i32
      %dma_wait3A_235 = arith.constant 0 : i32
      %dma_wait3A_236 = tpu.memref_slice %arg2[%dma_wait3A_234, %dma_wait3A_235] : memref<1000000x64xf32, #tpu.memory_space<hbm>> -> memref<1000000x64xf32, #tpu.memory_space<hbm>>
      tpu.wait_indirect_dma semaphore(%arg7 : memref<!tpu.dma_semaphore, #tpu.memory_space<semaphore_mem>>) src(%dma_wait3A_236 : memref<1000000x64xf32, #tpu.memory_space<hbm>>) dst(%dma_wait3A_230 : memref<128x64xf32, #tpu.memory_space<vmem>>)
      %mul3A_237 = arith.constant 4 : i32
      %mul3A_238 = arith.muli %mul3A_204, %mul3A_237 : i32
      %add3A_239 = arith.constant 2 : i32
      %add3A_240 = arith.addi %mul3A_238, %add3A_239 : i32
      %dma_wait3A_241 = arith.constant 0 : i32
      %dma_wait3A_242 = arith.constant 2 : i32
      %dma_wait3A_243 = arith.constant 0 : i32
      %dma_wait3A_244 = arith.constant 0 : i32
      %dma_wait3A_245 = tpu.memref_slice %arg6[%dma_wait3A_241, %dma_wait3A_242, %dma_wait3A_243, %dma_wait3A_244] : memref<2x4x128x64xf32, #tpu.memory_space<vmem>> -> memref<1x1x128x64xf32, #tpu.memory_space<vmem>>
      %dma_wait3A_246 = tpu.memref_squeeze %dma_wait3A_245 : memref<1x1x128x64xf32, #tpu.memory_space<vmem>> -> memref<128x64xf32, #tpu.memory_space<vmem>>
      %dma_wait3A_247 = arith.constant 0 : i32
      %dma_wait3A_248 = tpu.memref_slice %arg5[%add3A_240, %dma_wait3A_247] : memref<200x128xi32, #tpu.memory_space<vmem>> -> memref<1x128xi32, #tpu.memory_space<vmem>>
      %dma_wait3A_249 = tpu.memref_squeeze %dma_wait3A_248 : memref<1x128xi32, #tpu.memory_space<vmem>> -> memref<128xi32, #tpu.memory_space<vmem>>
      %dma_wait3A_250 = arith.constant 0 : i32
      %dma_wait3A_251 = arith.constant 0 : i32
      %dma_wait3A_252 = tpu.memref_slice %arg2[%dma_wait3A_250, %dma_wait3A_251] : memref<1000000x64xf32, #tpu.memory_space<hbm>> -> memref<1000000x64xf32, #tpu.memory_space<hbm>>
      tpu.wait_indirect_dma semaphore(%arg7 : memref<!tpu.dma_semaphore, #tpu.memory_space<semaphore_mem>>) src(%dma_wait3A_252 : memref<1000000x64xf32, #tpu.memory_space<hbm>>) dst(%dma_wait3A_246 : memref<128x64xf32, #tpu.memory_space<vmem>>)
      %mul3A_253 = arith.constant 4 : i32
      %mul3A_254 = arith.muli %mul3A_204, %mul3A_253 : i32
      %add3A_255 = arith.constant 3 : i32
      %add3A_256 = arith.addi %mul3A_254, %add3A_255 : i32
      %dma_wait3A_257 = arith.constant 0 : i32
      %dma_wait3A_258 = arith.constant 3 : i32
      %dma_wait3A_259 = arith.constant 0 : i32
      %dma_wait3A_260 = arith.constant 0 : i32
      %dma_wait3A_261 = tpu.memref_slice %arg6[%dma_wait3A_257, %dma_wait3A_258, %dma_wait3A_259, %dma_wait3A_260] : memref<2x4x128x64xf32, #tpu.memory_space<vmem>> -> memref<1x1x128x64xf32, #tpu.memory_space<vmem>>
      %dma_wait3A_262 = tpu.memref_squeeze %dma_wait3A_261 : memref<1x1x128x64xf32, #tpu.memory_space<vmem>> -> memref<128x64xf32, #tpu.memory_space<vmem>>
      %dma_wait3A_263 = arith.constant 0 : i32
      %dma_wait3A_264 = tpu.memref_slice %arg5[%add3A_256, %dma_wait3A_263] : memref<200x128xi32, #tpu.memory_space<vmem>> -> memref<1x128xi32, #tpu.memory_space<vmem>>
      %dma_wait3A_265 = tpu.memref_squeeze %dma_wait3A_264 : memref<1x128xi32, #tpu.memory_space<vmem>> -> memref<128xi32, #tpu.memory_space<vmem>>
      %dma_wait3A_266 = arith.constant 0 : i32
      %dma_wait3A_267 = arith.constant 0 : i32
      %dma_wait3A_268 = tpu.memref_slice %arg2[%dma_wait3A_266, %dma_wait3A_267] : memref<1000000x64xf32, #tpu.memory_space<hbm>> -> memref<1000000x64xf32, #tpu.memory_space<hbm>>
      tpu.wait_indirect_dma semaphore(%arg7 : memref<!tpu.dma_semaphore, #tpu.memory_space<semaphore_mem>>) src(%dma_wait3A_268 : memref<1000000x64xf32, #tpu.memory_space<hbm>>) dst(%dma_wait3A_262 : memref<128x64xf32, #tpu.memory_space<vmem>>)
      %ge3A = arith.constant 1 : i32
      %ge3A_269 = arith.cmpi sge, %mul3A_204, %ge3A : i32
      %convert_element_type3A = arith.extui %ge3A_269 : i1 to i32
      %cond3A = arith.constant 0 : i32
      %cond3A_270 = arith.cmpi ne, %convert_element_type3A, %cond3A : i32
      scf.if %cond3A_270 {
        %sub3A = arith.constant 1 : i32
        %sub3A_653 = arith.subi %mul3A_204, %sub3A : i32
        %mul3A_654 = arith.constant 200 : i32
        %mul3A_655 = arith.muli %add3A, %mul3A_654 : i32
        %mul3A_656 = arith.constant 4 : i32
        %mul3A_657 = arith.muli %sub3A_653, %mul3A_656 : i32
        %add3A_658 = arith.addi %mul3A_655, %mul3A_657 : i32
        %add3A_659 = arith.constant 0 : i32
        %add3A_660 = arith.addi %add3A_658, %add3A_659 : i32
        %mul3A_661 = arith.constant 64 : i32
        %mul3A_662 = arith.muli %add3A_660, %mul3A_661 : i32
        %mul3A_663 = arith.constant 200 : i32
        %mul3A_664 = arith.muli %add3A, %mul3A_663 : i32
        %mul3A_665 = arith.constant 4 : i32
        %mul3A_666 = arith.muli %sub3A_653, %mul3A_665 : i32
        %add3A_667 = arith.addi %mul3A_664, %mul3A_666 : i32
        %add3A_668 = arith.constant 1 : i32
        %add3A_669 = arith.addi %add3A_667, %add3A_668 : i32
        %mul3A_670 = arith.constant 64 : i32
        %mul3A_671 = arith.muli %add3A_669, %mul3A_670 : i32
        %mul3A_672 = arith.constant 200 : i32
        %mul3A_673 = arith.muli %add3A, %mul3A_672 : i32
        %mul3A_674 = arith.constant 4 : i32
        %mul3A_675 = arith.muli %sub3A_653, %mul3A_674 : i32
        %add3A_676 = arith.addi %mul3A_673, %mul3A_675 : i32
        %add3A_677 = arith.constant 2 : i32
        %add3A_678 = arith.addi %add3A_676, %add3A_677 : i32
        %mul3A_679 = arith.constant 64 : i32
        %mul3A_680 = arith.muli %add3A_678, %mul3A_679 : i32
        %mul3A_681 = arith.constant 200 : i32
        %mul3A_682 = arith.muli %add3A, %mul3A_681 : i32
        %mul3A_683 = arith.constant 4 : i32
        %mul3A_684 = arith.muli %sub3A_653, %mul3A_683 : i32
        %add3A_685 = arith.addi %mul3A_682, %mul3A_684 : i32
        %add3A_686 = arith.constant 3 : i32
        %add3A_687 = arith.addi %add3A_685, %add3A_686 : i32
        %mul3A_688 = arith.constant 64 : i32
        %mul3A_689 = arith.muli %add3A_687, %mul3A_688 : i32
        %dma_wait3A_690 = arith.constant 1 : i32
        %dma_wait3A_691 = arith.constant 0 : i32
        %dma_wait3A_692 = arith.constant 0 : i32
        %dma_wait3A_693 = arith.constant 0 : i32
        %dma_wait3A_694 = tpu.memref_slice %arg6[%dma_wait3A_690, %dma_wait3A_691, %dma_wait3A_692, %dma_wait3A_693] : memref<2x4x128x64xf32, #tpu.memory_space<vmem>> -> memref<1x1x64x64xf32, #tpu.memory_space<vmem>>
        %dma_wait3A_695 = tpu.memref_squeeze %dma_wait3A_694 : memref<1x1x64x64xf32, #tpu.memory_space<vmem>> -> memref<64x64xf32, #tpu.memory_space<vmem>>
        %dma_wait3A_696 = arith.constant 0 : i32
        %dma_wait3A_697 = tpu.memref_slice %arg4[%mul3A_662, %dma_wait3A_696] : memref<409600x128xf32, #tpu.memory_space<hbm>> -> memref<64x64xf32, #tpu.memory_space<hbm>>
        %dma_wait3A_698 = arith.constant 0 : i32
        %dma_wait3A_699 = tpu.memref_slice %arg4[%mul3A_662, %dma_wait3A_698] : memref<409600x128xf32, #tpu.memory_space<hbm>> -> memref<64x64xf32, #tpu.memory_space<hbm>>
        %dma_wait3A_700 = arith.constant 0 : i32
        %dma_wait3A_701 = arith.constant 0 : i32
        %dma_wait3A_702 = tpu.memref_slice %arg6[%dma_wait3A_690, %dma_wait3A_691, %dma_wait3A_700, %dma_wait3A_701] : memref<2x4x128x64xf32, #tpu.memory_space<vmem>> -> memref<1x1x64x64xf32, #tpu.memory_space<vmem>>
        %dma_wait3A_703 = tpu.memref_squeeze %dma_wait3A_702 : memref<1x1x64x64xf32, #tpu.memory_space<vmem>> -> memref<64x64xf32, #tpu.memory_space<vmem>>
        tpu.wait_dma2 semaphore(%arg8 : memref<!tpu.dma_semaphore, #tpu.memory_space<semaphore_mem>>) src(%dma_wait3A_703 : memref<64x64xf32, #tpu.memory_space<vmem>>) dst(%dma_wait3A_699 : memref<64x64xf32, #tpu.memory_space<hbm>>)
        %dma_wait3A_704 = arith.constant 1 : i32
        %dma_wait3A_705 = arith.constant 0 : i32
        %dma_wait3A_706 = arith.constant 64 : i32
        %dma_wait3A_707 = arith.constant 0 : i32
        %dma_wait3A_708 = tpu.memref_slice %arg6[%dma_wait3A_704, %dma_wait3A_705, %dma_wait3A_706, %dma_wait3A_707] : memref<2x4x128x64xf32, #tpu.memory_space<vmem>> -> memref<1x1x64x64xf32, #tpu.memory_space<vmem>>
        %dma_wait3A_709 = tpu.memref_squeeze %dma_wait3A_708 : memref<1x1x64x64xf32, #tpu.memory_space<vmem>> -> memref<64x64xf32, #tpu.memory_space<vmem>>
        %dma_wait3A_710 = arith.constant 64 : i32
        %dma_wait3A_711 = tpu.memref_slice %arg4[%mul3A_662, %dma_wait3A_710] : memref<409600x128xf32, #tpu.memory_space<hbm>> -> memref<64x64xf32, #tpu.memory_space<hbm>>
        %dma_wait3A_712 = arith.constant 64 : i32
        %dma_wait3A_713 = tpu.memref_slice %arg4[%mul3A_662, %dma_wait3A_712] : memref<409600x128xf32, #tpu.memory_space<hbm>> -> memref<64x64xf32, #tpu.memory_space<hbm>>
        %dma_wait3A_714 = arith.constant 64 : i32
        %dma_wait3A_715 = arith.constant 0 : i32
        %dma_wait3A_716 = tpu.memref_slice %arg6[%dma_wait3A_704, %dma_wait3A_705, %dma_wait3A_714, %dma_wait3A_715] : memref<2x4x128x64xf32, #tpu.memory_space<vmem>> -> memref<1x1x64x64xf32, #tpu.memory_space<vmem>>
        %dma_wait3A_717 = tpu.memref_squeeze %dma_wait3A_716 : memref<1x1x64x64xf32, #tpu.memory_space<vmem>> -> memref<64x64xf32, #tpu.memory_space<vmem>>
        tpu.wait_dma2 semaphore(%arg8 : memref<!tpu.dma_semaphore, #tpu.memory_space<semaphore_mem>>) src(%dma_wait3A_717 : memref<64x64xf32, #tpu.memory_space<vmem>>) dst(%dma_wait3A_713 : memref<64x64xf32, #tpu.memory_space<hbm>>)
        %dma_wait3A_718 = arith.constant 1 : i32
        %dma_wait3A_719 = arith.constant 1 : i32
        %dma_wait3A_720 = arith.constant 0 : i32
        %dma_wait3A_721 = arith.constant 0 : i32
        %dma_wait3A_722 = tpu.memref_slice %arg6[%dma_wait3A_718, %dma_wait3A_719, %dma_wait3A_720, %dma_wait3A_721] : memref<2x4x128x64xf32, #tpu.memory_space<vmem>> -> memref<1x1x64x64xf32, #tpu.memory_space<vmem>>
        %dma_wait3A_723 = tpu.memref_squeeze %dma_wait3A_722 : memref<1x1x64x64xf32, #tpu.memory_space<vmem>> -> memref<64x64xf32, #tpu.memory_space<vmem>>
        %dma_wait3A_724 = arith.constant 0 : i32
        %dma_wait3A_725 = tpu.memref_slice %arg4[%mul3A_671, %dma_wait3A_724] : memref<409600x128xf32, #tpu.memory_space<hbm>> -> memref<64x64xf32, #tpu.memory_space<hbm>>
        %dma_wait3A_726 = arith.constant 0 : i32
        %dma_wait3A_727 = tpu.memref_slice %arg4[%mul3A_671, %dma_wait3A_726] : memref<409600x128xf32, #tpu.memory_space<hbm>> -> memref<64x64xf32, #tpu.memory_space<hbm>>
        %dma_wait3A_728 = arith.constant 0 : i32
        %dma_wait3A_729 = arith.constant 0 : i32
        %dma_wait3A_730 = tpu.memref_slice %arg6[%dma_wait3A_718, %dma_wait3A_719, %dma_wait3A_728, %dma_wait3A_729] : memref<2x4x128x64xf32, #tpu.memory_space<vmem>> -> memref<1x1x64x64xf32, #tpu.memory_space<vmem>>
        %dma_wait3A_731 = tpu.memref_squeeze %dma_wait3A_730 : memref<1x1x64x64xf32, #tpu.memory_space<vmem>> -> memref<64x64xf32, #tpu.memory_space<vmem>>
        tpu.wait_dma2 semaphore(%arg8 : memref<!tpu.dma_semaphore, #tpu.memory_space<semaphore_mem>>) src(%dma_wait3A_731 : memref<64x64xf32, #tpu.memory_space<vmem>>) dst(%dma_wait3A_727 : memref<64x64xf32, #tpu.memory_space<hbm>>)
        %dma_wait3A_732 = arith.constant 1 : i32
        %dma_wait3A_733 = arith.constant 1 : i32
        %dma_wait3A_734 = arith.constant 64 : i32
        %dma_wait3A_735 = arith.constant 0 : i32
        %dma_wait3A_736 = tpu.memref_slice %arg6[%dma_wait3A_732, %dma_wait3A_733, %dma_wait3A_734, %dma_wait3A_735] : memref<2x4x128x64xf32, #tpu.memory_space<vmem>> -> memref<1x1x64x64xf32, #tpu.memory_space<vmem>>
        %dma_wait3A_737 = tpu.memref_squeeze %dma_wait3A_736 : memref<1x1x64x64xf32, #tpu.memory_space<vmem>> -> memref<64x64xf32, #tpu.memory_space<vmem>>
        %dma_wait3A_738 = arith.constant 64 : i32
        %dma_wait3A_739 = tpu.memref_slice %arg4[%mul3A_671, %dma_wait3A_738] : memref<409600x128xf32, #tpu.memory_space<hbm>> -> memref<64x64xf32, #tpu.memory_space<hbm>>
        %dma_wait3A_740 = arith.constant 64 : i32
        %dma_wait3A_741 = tpu.memref_slice %arg4[%mul3A_671, %dma_wait3A_740] : memref<409600x128xf32, #tpu.memory_space<hbm>> -> memref<64x64xf32, #tpu.memory_space<hbm>>
        %dma_wait3A_742 = arith.constant 64 : i32
        %dma_wait3A_743 = arith.constant 0 : i32
        %dma_wait3A_744 = tpu.memref_slice %arg6[%dma_wait3A_732, %dma_wait3A_733, %dma_wait3A_742, %dma_wait3A_743] : memref<2x4x128x64xf32, #tpu.memory_space<vmem>> -> memref<1x1x64x64xf32, #tpu.memory_space<vmem>>
        %dma_wait3A_745 = tpu.memref_squeeze %dma_wait3A_744 : memref<1x1x64x64xf32, #tpu.memory_space<vmem>> -> memref<64x64xf32, #tpu.memory_space<vmem>>
        tpu.wait_dma2 semaphore(%arg8 : memref<!tpu.dma_semaphore, #tpu.memory_space<semaphore_mem>>) src(%dma_wait3A_745 : memref<64x64xf32, #tpu.memory_space<vmem>>) dst(%dma_wait3A_741 : memref<64x64xf32, #tpu.memory_space<hbm>>)
        %dma_wait3A_746 = arith.constant 1 : i32
        %dma_wait3A_747 = arith.constant 2 : i32
        %dma_wait3A_748 = arith.constant 0 : i32
        %dma_wait3A_749 = arith.constant 0 : i32
        %dma_wait3A_750 = tpu.memref_slice %arg6[%dma_wait3A_746, %dma_wait3A_747, %dma_wait3A_748, %dma_wait3A_749] : memref<2x4x128x64xf32, #tpu.memory_space<vmem>> -> memref<1x1x64x64xf32, #tpu.memory_space<vmem>>
        %dma_wait3A_751 = tpu.memref_squeeze %dma_wait3A_750 : memref<1x1x64x64xf32, #tpu.memory_space<vmem>> -> memref<64x64xf32, #tpu.memory_space<vmem>>
        %dma_wait3A_752 = arith.constant 0 : i32
        %dma_wait3A_753 = tpu.memref_slice %arg4[%mul3A_680, %dma_wait3A_752] : memref<409600x128xf32, #tpu.memory_space<hbm>> -> memref<64x64xf32, #tpu.memory_space<hbm>>
        %dma_wait3A_754 = arith.constant 0 : i32
        %dma_wait3A_755 = tpu.memref_slice %arg4[%mul3A_680, %dma_wait3A_754] : memref<409600x128xf32, #tpu.memory_space<hbm>> -> memref<64x64xf32, #tpu.memory_space<hbm>>
        %dma_wait3A_756 = arith.constant 0 : i32
        %dma_wait3A_757 = arith.constant 0 : i32
        %dma_wait3A_758 = tpu.memref_slice %arg6[%dma_wait3A_746, %dma_wait3A_747, %dma_wait3A_756, %dma_wait3A_757] : memref<2x4x128x64xf32, #tpu.memory_space<vmem>> -> memref<1x1x64x64xf32, #tpu.memory_space<vmem>>
        %dma_wait3A_759 = tpu.memref_squeeze %dma_wait3A_758 : memref<1x1x64x64xf32, #tpu.memory_space<vmem>> -> memref<64x64xf32, #tpu.memory_space<vmem>>
        tpu.wait_dma2 semaphore(%arg8 : memref<!tpu.dma_semaphore, #tpu.memory_space<semaphore_mem>>) src(%dma_wait3A_759 : memref<64x64xf32, #tpu.memory_space<vmem>>) dst(%dma_wait3A_755 : memref<64x64xf32, #tpu.memory_space<hbm>>)
        %dma_wait3A_760 = arith.constant 1 : i32
        %dma_wait3A_761 = arith.constant 2 : i32
        %dma_wait3A_762 = arith.constant 64 : i32
        %dma_wait3A_763 = arith.constant 0 : i32
        %dma_wait3A_764 = tpu.memref_slice %arg6[%dma_wait3A_760, %dma_wait3A_761, %dma_wait3A_762, %dma_wait3A_763] : memref<2x4x128x64xf32, #tpu.memory_space<vmem>> -> memref<1x1x64x64xf32, #tpu.memory_space<vmem>>
        %dma_wait3A_765 = tpu.memref_squeeze %dma_wait3A_764 : memref<1x1x64x64xf32, #tpu.memory_space<vmem>> -> memref<64x64xf32, #tpu.memory_space<vmem>>
        %dma_wait3A_766 = arith.constant 64 : i32
        %dma_wait3A_767 = tpu.memref_slice %arg4[%mul3A_680, %dma_wait3A_766] : memref<409600x128xf32, #tpu.memory_space<hbm>> -> memref<64x64xf32, #tpu.memory_space<hbm>>
        %dma_wait3A_768 = arith.constant 64 : i32
        %dma_wait3A_769 = tpu.memref_slice %arg4[%mul3A_680, %dma_wait3A_768] : memref<409600x128xf32, #tpu.memory_space<hbm>> -> memref<64x64xf32, #tpu.memory_space<hbm>>
        %dma_wait3A_770 = arith.constant 64 : i32
        %dma_wait3A_771 = arith.constant 0 : i32
        %dma_wait3A_772 = tpu.memref_slice %arg6[%dma_wait3A_760, %dma_wait3A_761, %dma_wait3A_770, %dma_wait3A_771] : memref<2x4x128x64xf32, #tpu.memory_space<vmem>> -> memref<1x1x64x64xf32, #tpu.memory_space<vmem>>
        %dma_wait3A_773 = tpu.memref_squeeze %dma_wait3A_772 : memref<1x1x64x64xf32, #tpu.memory_space<vmem>> -> memref<64x64xf32, #tpu.memory_space<vmem>>
        tpu.wait_dma2 semaphore(%arg8 : memref<!tpu.dma_semaphore, #tpu.memory_space<semaphore_mem>>) src(%dma_wait3A_773 : memref<64x64xf32, #tpu.memory_space<vmem>>) dst(%dma_wait3A_769 : memref<64x64xf32, #tpu.memory_space<hbm>>)
        %dma_wait3A_774 = arith.constant 1 : i32
        %dma_wait3A_775 = arith.constant 3 : i32
        %dma_wait3A_776 = arith.constant 0 : i32
        %dma_wait3A_777 = arith.constant 0 : i32
        %dma_wait3A_778 = tpu.memref_slice %arg6[%dma_wait3A_774, %dma_wait3A_775, %dma_wait3A_776, %dma_wait3A_777] : memref<2x4x128x64xf32, #tpu.memory_space<vmem>> -> memref<1x1x64x64xf32, #tpu.memory_space<vmem>>
        %dma_wait3A_779 = tpu.memref_squeeze %dma_wait3A_778 : memref<1x1x64x64xf32, #tpu.memory_space<vmem>> -> memref<64x64xf32, #tpu.memory_space<vmem>>
        %dma_wait3A_780 = arith.constant 0 : i32
        %dma_wait3A_781 = tpu.memref_slice %arg4[%mul3A_689, %dma_wait3A_780] : memref<409600x128xf32, #tpu.memory_space<hbm>> -> memref<64x64xf32, #tpu.memory_space<hbm>>
        %dma_wait3A_782 = arith.constant 0 : i32
        %dma_wait3A_783 = tpu.memref_slice %arg4[%mul3A_689, %dma_wait3A_782] : memref<409600x128xf32, #tpu.memory_space<hbm>> -> memref<64x64xf32, #tpu.memory_space<hbm>>
        %dma_wait3A_784 = arith.constant 0 : i32
        %dma_wait3A_785 = arith.constant 0 : i32
        %dma_wait3A_786 = tpu.memref_slice %arg6[%dma_wait3A_774, %dma_wait3A_775, %dma_wait3A_784, %dma_wait3A_785] : memref<2x4x128x64xf32, #tpu.memory_space<vmem>> -> memref<1x1x64x64xf32, #tpu.memory_space<vmem>>
        %dma_wait3A_787 = tpu.memref_squeeze %dma_wait3A_786 : memref<1x1x64x64xf32, #tpu.memory_space<vmem>> -> memref<64x64xf32, #tpu.memory_space<vmem>>
        tpu.wait_dma2 semaphore(%arg8 : memref<!tpu.dma_semaphore, #tpu.memory_space<semaphore_mem>>) src(%dma_wait3A_787 : memref<64x64xf32, #tpu.memory_space<vmem>>) dst(%dma_wait3A_783 : memref<64x64xf32, #tpu.memory_space<hbm>>)
        %dma_wait3A_788 = arith.constant 1 : i32
        %dma_wait3A_789 = arith.constant 3 : i32
        %dma_wait3A_790 = arith.constant 64 : i32
        %dma_wait3A_791 = arith.constant 0 : i32
        %dma_wait3A_792 = tpu.memref_slice %arg6[%dma_wait3A_788, %dma_wait3A_789, %dma_wait3A_790, %dma_wait3A_791] : memref<2x4x128x64xf32, #tpu.memory_space<vmem>> -> memref<1x1x64x64xf32, #tpu.memory_space<vmem>>
        %dma_wait3A_793 = tpu.memref_squeeze %dma_wait3A_792 : memref<1x1x64x64xf32, #tpu.memory_space<vmem>> -> memref<64x64xf32, #tpu.memory_space<vmem>>
        %dma_wait3A_794 = arith.constant 64 : i32
        %dma_wait3A_795 = tpu.memref_slice %arg4[%mul3A_689, %dma_wait3A_794] : memref<409600x128xf32, #tpu.memory_space<hbm>> -> memref<64x64xf32, #tpu.memory_space<hbm>>
        %dma_wait3A_796 = arith.constant 64 : i32
        %dma_wait3A_797 = tpu.memref_slice %arg4[%mul3A_689, %dma_wait3A_796] : memref<409600x128xf32, #tpu.memory_space<hbm>> -> memref<64x64xf32, #tpu.memory_space<hbm>>
        %dma_wait3A_798 = arith.constant 64 : i32
        %dma_wait3A_799 = arith.constant 0 : i32
        %dma_wait3A_800 = tpu.memref_slice %arg6[%dma_wait3A_788, %dma_wait3A_789, %dma_wait3A_798, %dma_wait3A_799] : memref<2x4x128x64xf32, #tpu.memory_space<vmem>> -> memref<1x1x64x64xf32, #tpu.memory_space<vmem>>
        %dma_wait3A_801 = tpu.memref_squeeze %dma_wait3A_800 : memref<1x1x64x64xf32, #tpu.memory_space<vmem>> -> memref<64x64xf32, #tpu.memory_space<vmem>>
        tpu.wait_dma2 semaphore(%arg8 : memref<!tpu.dma_semaphore, #tpu.memory_space<semaphore_mem>>) src(%dma_wait3A_801 : memref<64x64xf32, #tpu.memory_space<vmem>>) dst(%dma_wait3A_797 : memref<64x64xf32, #tpu.memory_space<hbm>>)
      } else {
      }
      %add3A_271 = arith.constant 1 : i32
      %add3A_272 = arith.addi %mul3A_204, %add3A_271 : i32
      %lt3A = arith.constant 50 : i32
      %lt3A_273 = arith.cmpi slt, %add3A_272, %lt3A : i32
      %convert_element_type3A_274 = arith.extui %lt3A_273 : i1 to i32
      %cond3A_275 = arith.constant 0 : i32
      %cond3A_276 = arith.cmpi ne, %convert_element_type3A_274, %cond3A_275 : i32
      scf.if %cond3A_276 {
        %add3A_653 = arith.constant 1 : i32
        %add3A_654 = arith.addi %mul3A_204, %add3A_653 : i32
        %mul3A_655 = arith.constant 4 : i32
        %mul3A_656 = arith.muli %add3A_654, %mul3A_655 : i32
        %add3A_657 = arith.constant 0 : i32
        %add3A_658 = arith.addi %mul3A_656, %add3A_657 : i32
        %dma_start3A_659 = arith.constant 1 : i32
        %dma_start3A_660 = arith.constant 0 : i32
        %dma_start3A_661 = arith.constant 0 : i32
        %dma_start3A_662 = arith.constant 0 : i32
        %dma_start3A_663 = tpu.memref_slice %arg6[%dma_start3A_659, %dma_start3A_660, %dma_start3A_661, %dma_start3A_662] : memref<2x4x128x64xf32, #tpu.memory_space<vmem>> -> memref<1x1x128x64xf32, #tpu.memory_space<vmem>>
        %dma_start3A_664 = tpu.memref_squeeze %dma_start3A_663 : memref<1x1x128x64xf32, #tpu.memory_space<vmem>> -> memref<128x64xf32, #tpu.memory_space<vmem>>
        %dma_start3A_665 = arith.constant 0 : i32
        %dma_start3A_666 = tpu.memref_slice %arg5[%add3A_658, %dma_start3A_665] : memref<200x128xi32, #tpu.memory_space<vmem>> -> memref<1x128xi32, #tpu.memory_space<vmem>>
        %dma_start3A_667 = tpu.memref_squeeze %dma_start3A_666 : memref<1x128xi32, #tpu.memory_space<vmem>> -> memref<128xi32, #tpu.memory_space<vmem>>
        %dma_start3A_668 = arith.constant 0 : i32
        %dma_start3A_669 = arith.constant 0 : i32
        %dma_start3A_670 = tpu.memref_slice %arg2[%dma_start3A_668, %dma_start3A_669] : memref<1000000x64xf32, #tpu.memory_space<hbm>> -> memref<1000000x64xf32, #tpu.memory_space<hbm>>
        tpu.enqueue_indirect_dma source(%dma_start3A_670 : memref<1000000x64xf32, #tpu.memory_space<hbm>>) target(%dma_start3A_664 : memref<128x64xf32, #tpu.memory_space<vmem>>) offsets(%dma_start3A_667 : memref<128xi32, #tpu.memory_space<vmem>>) semaphore(%arg7 : memref<!tpu.dma_semaphore, #tpu.memory_space<semaphore_mem>>)
        %mul3A_671 = arith.constant 4 : i32
        %mul3A_672 = arith.muli %add3A_654, %mul3A_671 : i32
        %add3A_673 = arith.constant 1 : i32
        %add3A_674 = arith.addi %mul3A_672, %add3A_673 : i32
        %dma_start3A_675 = arith.constant 1 : i32
        %dma_start3A_676 = arith.constant 1 : i32
        %dma_start3A_677 = arith.constant 0 : i32
        %dma_start3A_678 = arith.constant 0 : i32
        %dma_start3A_679 = tpu.memref_slice %arg6[%dma_start3A_675, %dma_start3A_676, %dma_start3A_677, %dma_start3A_678] : memref<2x4x128x64xf32, #tpu.memory_space<vmem>> -> memref<1x1x128x64xf32, #tpu.memory_space<vmem>>
        %dma_start3A_680 = tpu.memref_squeeze %dma_start3A_679 : memref<1x1x128x64xf32, #tpu.memory_space<vmem>> -> memref<128x64xf32, #tpu.memory_space<vmem>>
        %dma_start3A_681 = arith.constant 0 : i32
        %dma_start3A_682 = tpu.memref_slice %arg5[%add3A_674, %dma_start3A_681] : memref<200x128xi32, #tpu.memory_space<vmem>> -> memref<1x128xi32, #tpu.memory_space<vmem>>
        %dma_start3A_683 = tpu.memref_squeeze %dma_start3A_682 : memref<1x128xi32, #tpu.memory_space<vmem>> -> memref<128xi32, #tpu.memory_space<vmem>>
        %dma_start3A_684 = arith.constant 0 : i32
        %dma_start3A_685 = arith.constant 0 : i32
        %dma_start3A_686 = tpu.memref_slice %arg2[%dma_start3A_684, %dma_start3A_685] : memref<1000000x64xf32, #tpu.memory_space<hbm>> -> memref<1000000x64xf32, #tpu.memory_space<hbm>>
        tpu.enqueue_indirect_dma source(%dma_start3A_686 : memref<1000000x64xf32, #tpu.memory_space<hbm>>) target(%dma_start3A_680 : memref<128x64xf32, #tpu.memory_space<vmem>>) offsets(%dma_start3A_683 : memref<128xi32, #tpu.memory_space<vmem>>) semaphore(%arg7 : memref<!tpu.dma_semaphore, #tpu.memory_space<semaphore_mem>>)
        %mul3A_687 = arith.constant 4 : i32
        %mul3A_688 = arith.muli %add3A_654, %mul3A_687 : i32
        %add3A_689 = arith.constant 2 : i32
        %add3A_690 = arith.addi %mul3A_688, %add3A_689 : i32
        %dma_start3A_691 = arith.constant 1 : i32
        %dma_start3A_692 = arith.constant 2 : i32
        %dma_start3A_693 = arith.constant 0 : i32
        %dma_start3A_694 = arith.constant 0 : i32
        %dma_start3A_695 = tpu.memref_slice %arg6[%dma_start3A_691, %dma_start3A_692, %dma_start3A_693, %dma_start3A_694] : memref<2x4x128x64xf32, #tpu.memory_space<vmem>> -> memref<1x1x128x64xf32, #tpu.memory_space<vmem>>
        %dma_start3A_696 = tpu.memref_squeeze %dma_start3A_695 : memref<1x1x128x64xf32, #tpu.memory_space<vmem>> -> memref<128x64xf32, #tpu.memory_space<vmem>>
        %dma_start3A_697 = arith.constant 0 : i32
        %dma_start3A_698 = tpu.memref_slice %arg5[%add3A_690, %dma_start3A_697] : memref<200x128xi32, #tpu.memory_space<vmem>> -> memref<1x128xi32, #tpu.memory_space<vmem>>
        %dma_start3A_699 = tpu.memref_squeeze %dma_start3A_698 : memref<1x128xi32, #tpu.memory_space<vmem>> -> memref<128xi32, #tpu.memory_space<vmem>>
        %dma_start3A_700 = arith.constant 0 : i32
        %dma_start3A_701 = arith.constant 0 : i32
        %dma_start3A_702 = tpu.memref_slice %arg2[%dma_start3A_700, %dma_start3A_701] : memref<1000000x64xf32, #tpu.memory_space<hbm>> -> memref<1000000x64xf32, #tpu.memory_space<hbm>>
        tpu.enqueue_indirect_dma source(%dma_start3A_702 : memref<1000000x64xf32, #tpu.memory_space<hbm>>) target(%dma_start3A_696 : memref<128x64xf32, #tpu.memory_space<vmem>>) offsets(%dma_start3A_699 : memref<128xi32, #tpu.memory_space<vmem>>) semaphore(%arg7 : memref<!tpu.dma_semaphore, #tpu.memory_space<semaphore_mem>>)
        %mul3A_703 = arith.constant 4 : i32
        %mul3A_704 = arith.muli %add3A_654, %mul3A_703 : i32
        %add3A_705 = arith.constant 3 : i32
        %add3A_706 = arith.addi %mul3A_704, %add3A_705 : i32
        %dma_start3A_707 = arith.constant 1 : i32
        %dma_start3A_708 = arith.constant 3 : i32
        %dma_start3A_709 = arith.constant 0 : i32
        %dma_start3A_710 = arith.constant 0 : i32
        %dma_start3A_711 = tpu.memref_slice %arg6[%dma_start3A_707, %dma_start3A_708, %dma_start3A_709, %dma_start3A_710] : memref<2x4x128x64xf32, #tpu.memory_space<vmem>> -> memref<1x1x128x64xf32, #tpu.memory_space<vmem>>
        %dma_start3A_712 = tpu.memref_squeeze %dma_start3A_711 : memref<1x1x128x64xf32, #tpu.memory_space<vmem>> -> memref<128x64xf32, #tpu.memory_space<vmem>>
        %dma_start3A_713 = arith.constant 0 : i32
        %dma_start3A_714 = tpu.memref_slice %arg5[%add3A_706, %dma_start3A_713] : memref<200x128xi32, #tpu.memory_space<vmem>> -> memref<1x128xi32, #tpu.memory_space<vmem>>
        %dma_start3A_715 = tpu.memref_squeeze %dma_start3A_714 : memref<1x128xi32, #tpu.memory_space<vmem>> -> memref<128xi32, #tpu.memory_space<vmem>>
        %dma_start3A_716 = arith.constant 0 : i32
        %dma_start3A_717 = arith.constant 0 : i32
        %dma_start3A_718 = tpu.memref_slice %arg2[%dma_start3A_716, %dma_start3A_717] : memref<1000000x64xf32, #tpu.memory_space<hbm>> -> memref<1000000x64xf32, #tpu.memory_space<hbm>>
        tpu.enqueue_indirect_dma source(%dma_start3A_718 : memref<1000000x64xf32, #tpu.memory_space<hbm>>) target(%dma_start3A_712 : memref<128x64xf32, #tpu.memory_space<vmem>>) offsets(%dma_start3A_715 : memref<128xi32, #tpu.memory_space<vmem>>) semaphore(%arg7 : memref<!tpu.dma_semaphore, #tpu.memory_space<semaphore_mem>>)
      } else {
      }
      %mul3A_277 = arith.constant 200 : i32
      %mul3A_278 = arith.muli %add3A, %mul3A_277 : i32
      %mul3A_279 = arith.constant 4 : i32
      %mul3A_280 = arith.muli %mul3A_204, %mul3A_279 : i32
      %add3A_281 = arith.addi %mul3A_278, %mul3A_280 : i32
      %add3A_282 = arith.constant 0 : i32
      %add3A_283 = arith.addi %add3A_281, %add3A_282 : i32
      %mul3A_284 = arith.constant 64 : i32
      %mul3A_285 = arith.muli %add3A_283, %mul3A_284 : i32
      %mul3A_286 = arith.constant 200 : i32
      %mul3A_287 = arith.muli %add3A, %mul3A_286 : i32
      %mul3A_288 = arith.constant 4 : i32
      %mul3A_289 = arith.muli %mul3A_204, %mul3A_288 : i32
      %add3A_290 = arith.addi %mul3A_287, %mul3A_289 : i32
      %add3A_291 = arith.constant 1 : i32
      %add3A_292 = arith.addi %add3A_290, %add3A_291 : i32
      %mul3A_293 = arith.constant 64 : i32
      %mul3A_294 = arith.muli %add3A_292, %mul3A_293 : i32
      %mul3A_295 = arith.constant 200 : i32
      %mul3A_296 = arith.muli %add3A, %mul3A_295 : i32
      %mul3A_297 = arith.constant 4 : i32
      %mul3A_298 = arith.muli %mul3A_204, %mul3A_297 : i32
      %add3A_299 = arith.addi %mul3A_296, %mul3A_298 : i32
      %add3A_300 = arith.constant 2 : i32
      %add3A_301 = arith.addi %add3A_299, %add3A_300 : i32
      %mul3A_302 = arith.constant 64 : i32
      %mul3A_303 = arith.muli %add3A_301, %mul3A_302 : i32
      %mul3A_304 = arith.constant 200 : i32
      %mul3A_305 = arith.muli %add3A, %mul3A_304 : i32
      %mul3A_306 = arith.constant 4 : i32
      %mul3A_307 = arith.muli %mul3A_204, %mul3A_306 : i32
      %add3A_308 = arith.addi %mul3A_305, %mul3A_307 : i32
      %add3A_309 = arith.constant 3 : i32
      %add3A_310 = arith.addi %add3A_308, %add3A_309 : i32
      %mul3A_311 = arith.constant 64 : i32
      %mul3A_312 = arith.muli %add3A_310, %mul3A_311 : i32
      %dma_start3A_313 = arith.constant 0 : i32
      %dma_start3A_314 = arith.constant 0 : i32
      %dma_start3A_315 = arith.constant 0 : i32
      %dma_start3A_316 = arith.constant 0 : i32
      %dma_start3A_317 = tpu.memref_slice %arg6[%dma_start3A_313, %dma_start3A_314, %dma_start3A_315, %dma_start3A_316] : memref<2x4x128x64xf32, #tpu.memory_space<vmem>> -> memref<1x1x64x64xf32, #tpu.memory_space<vmem>>
      %dma_start3A_318 = tpu.memref_squeeze %dma_start3A_317 : memref<1x1x64x64xf32, #tpu.memory_space<vmem>> -> memref<64x64xf32, #tpu.memory_space<vmem>>
      %dma_start3A_319 = arith.constant 0 : i32
      %dma_start3A_320 = tpu.memref_slice %arg4[%mul3A_285, %dma_start3A_319] : memref<409600x128xf32, #tpu.memory_space<hbm>> -> memref<64x64xf32, #tpu.memory_space<hbm>>
      %dma_start3A_321 = arith.constant 0 : i32
      %dma_start3A_322 = tpu.memref_slice %arg4[%mul3A_285, %dma_start3A_321] : memref<409600x128xf32, #tpu.memory_space<hbm>> -> memref<64x64xf32, #tpu.memory_space<hbm>>
      %dma_start3A_323 = arith.constant 0 : i32
      %dma_start3A_324 = arith.constant 0 : i32
      %dma_start3A_325 = tpu.memref_slice %arg6[%dma_start3A_313, %dma_start3A_314, %dma_start3A_323, %dma_start3A_324] : memref<2x4x128x64xf32, #tpu.memory_space<vmem>> -> memref<1x1x64x64xf32, #tpu.memory_space<vmem>>
      %dma_start3A_326 = tpu.memref_squeeze %dma_start3A_325 : memref<1x1x64x64xf32, #tpu.memory_space<vmem>> -> memref<64x64xf32, #tpu.memory_space<vmem>>
      tpu.enqueue_dma source(%dma_start3A_326 : memref<64x64xf32, #tpu.memory_space<vmem>>) target(%dma_start3A_322 : memref<64x64xf32, #tpu.memory_space<hbm>>) target_semaphore(%arg8 : memref<!tpu.dma_semaphore, #tpu.memory_space<semaphore_mem>>)
      %dma_start3A_327 = arith.constant 0 : i32
      %dma_start3A_328 = arith.constant 0 : i32
      %dma_start3A_329 = arith.constant 64 : i32
      %dma_start3A_330 = arith.constant 0 : i32
      %dma_start3A_331 = tpu.memref_slice %arg6[%dma_start3A_327, %dma_start3A_328, %dma_start3A_329, %dma_start3A_330] : memref<2x4x128x64xf32, #tpu.memory_space<vmem>> -> memref<1x1x64x64xf32, #tpu.memory_space<vmem>>
      %dma_start3A_332 = tpu.memref_squeeze %dma_start3A_331 : memref<1x1x64x64xf32, #tpu.memory_space<vmem>> -> memref<64x64xf32, #tpu.memory_space<vmem>>
      %dma_start3A_333 = arith.constant 64 : i32
      %dma_start3A_334 = tpu.memref_slice %arg4[%mul3A_285, %dma_start3A_333] : memref<409600x128xf32, #tpu.memory_space<hbm>> -> memref<64x64xf32, #tpu.memory_space<hbm>>
      %dma_start3A_335 = arith.constant 64 : i32
      %dma_start3A_336 = tpu.memref_slice %arg4[%mul3A_285, %dma_start3A_335] : memref<409600x128xf32, #tpu.memory_space<hbm>> -> memref<64x64xf32, #tpu.memory_space<hbm>>
      %dma_start3A_337 = arith.constant 64 : i32
      %dma_start3A_338 = arith.constant 0 : i32
      %dma_start3A_339 = tpu.memref_slice %arg6[%dma_start3A_327, %dma_start3A_328, %dma_start3A_337, %dma_start3A_338] : memref<2x4x128x64xf32, #tpu.memory_space<vmem>> -> memref<1x1x64x64xf32, #tpu.memory_space<vmem>>
      %dma_start3A_340 = tpu.memref_squeeze %dma_start3A_339 : memref<1x1x64x64xf32, #tpu.memory_space<vmem>> -> memref<64x64xf32, #tpu.memory_space<vmem>>
      tpu.enqueue_dma source(%dma_start3A_340 : memref<64x64xf32, #tpu.memory_space<vmem>>) target(%dma_start3A_336 : memref<64x64xf32, #tpu.memory_space<hbm>>) target_semaphore(%arg8 : memref<!tpu.dma_semaphore, #tpu.memory_space<semaphore_mem>>)
      %dma_start3A_341 = arith.constant 0 : i32
      %dma_start3A_342 = arith.constant 1 : i32
      %dma_start3A_343 = arith.constant 0 : i32
      %dma_start3A_344 = arith.constant 0 : i32
      %dma_start3A_345 = tpu.memref_slice %arg6[%dma_start3A_341, %dma_start3A_342, %dma_start3A_343, %dma_start3A_344] : memref<2x4x128x64xf32, #tpu.memory_space<vmem>> -> memref<1x1x64x64xf32, #tpu.memory_space<vmem>>
      %dma_start3A_346 = tpu.memref_squeeze %dma_start3A_345 : memref<1x1x64x64xf32, #tpu.memory_space<vmem>> -> memref<64x64xf32, #tpu.memory_space<vmem>>
      %dma_start3A_347 = arith.constant 0 : i32
      %dma_start3A_348 = tpu.memref_slice %arg4[%mul3A_294, %dma_start3A_347] : memref<409600x128xf32, #tpu.memory_space<hbm>> -> memref<64x64xf32, #tpu.memory_space<hbm>>
      %dma_start3A_349 = arith.constant 0 : i32
      %dma_start3A_350 = tpu.memref_slice %arg4[%mul3A_294, %dma_start3A_349] : memref<409600x128xf32, #tpu.memory_space<hbm>> -> memref<64x64xf32, #tpu.memory_space<hbm>>
      %dma_start3A_351 = arith.constant 0 : i32
      %dma_start3A_352 = arith.constant 0 : i32
      %dma_start3A_353 = tpu.memref_slice %arg6[%dma_start3A_341, %dma_start3A_342, %dma_start3A_351, %dma_start3A_352] : memref<2x4x128x64xf32, #tpu.memory_space<vmem>> -> memref<1x1x64x64xf32, #tpu.memory_space<vmem>>
      %dma_start3A_354 = tpu.memref_squeeze %dma_start3A_353 : memref<1x1x64x64xf32, #tpu.memory_space<vmem>> -> memref<64x64xf32, #tpu.memory_space<vmem>>
      tpu.enqueue_dma source(%dma_start3A_354 : memref<64x64xf32, #tpu.memory_space<vmem>>) target(%dma_start3A_350 : memref<64x64xf32, #tpu.memory_space<hbm>>) target_semaphore(%arg8 : memref<!tpu.dma_semaphore, #tpu.memory_space<semaphore_mem>>)
      %dma_start3A_355 = arith.constant 0 : i32
      %dma_start3A_356 = arith.constant 1 : i32
      %dma_start3A_357 = arith.constant 64 : i32
      %dma_start3A_358 = arith.constant 0 : i32
      %dma_start3A_359 = tpu.memref_slice %arg6[%dma_start3A_355, %dma_start3A_356, %dma_start3A_357, %dma_start3A_358] : memref<2x4x128x64xf32, #tpu.memory_space<vmem>> -> memref<1x1x64x64xf32, #tpu.memory_space<vmem>>
      %dma_start3A_360 = tpu.memref_squeeze %dma_start3A_359 : memref<1x1x64x64xf32, #tpu.memory_space<vmem>> -> memref<64x64xf32, #tpu.memory_space<vmem>>
      %dma_start3A_361 = arith.constant 64 : i32
      %dma_start3A_362 = tpu.memref_slice %arg4[%mul3A_294, %dma_start3A_361] : memref<409600x128xf32, #tpu.memory_space<hbm>> -> memref<64x64xf32, #tpu.memory_space<hbm>>
      %dma_start3A_363 = arith.constant 64 : i32
      %dma_start3A_364 = tpu.memref_slice %arg4[%mul3A_294, %dma_start3A_363] : memref<409600x128xf32, #tpu.memory_space<hbm>> -> memref<64x64xf32, #tpu.memory_space<hbm>>
      %dma_start3A_365 = arith.constant 64 : i32
      %dma_start3A_366 = arith.constant 0 : i32
      %dma_start3A_367 = tpu.memref_slice %arg6[%dma_start3A_355, %dma_start3A_356, %dma_start3A_365, %dma_start3A_366] : memref<2x4x128x64xf32, #tpu.memory_space<vmem>> -> memref<1x1x64x64xf32, #tpu.memory_space<vmem>>
      %dma_start3A_368 = tpu.memref_squeeze %dma_start3A_367 : memref<1x1x64x64xf32, #tpu.memory_space<vmem>> -> memref<64x64xf32, #tpu.memory_space<vmem>>
      tpu.enqueue_dma source(%dma_start3A_368 : memref<64x64xf32, #tpu.memory_space<vmem>>) target(%dma_start3A_364 : memref<64x64xf32, #tpu.memory_space<hbm>>) target_semaphore(%arg8 : memref<!tpu.dma_semaphore, #tpu.memory_space<semaphore_mem>>)
      %dma_start3A_369 = arith.constant 0 : i32
      %dma_start3A_370 = arith.constant 2 : i32
      %dma_start3A_371 = arith.constant 0 : i32
      %dma_start3A_372 = arith.constant 0 : i32
      %dma_start3A_373 = tpu.memref_slice %arg6[%dma_start3A_369, %dma_start3A_370, %dma_start3A_371, %dma_start3A_372] : memref<2x4x128x64xf32, #tpu.memory_space<vmem>> -> memref<1x1x64x64xf32, #tpu.memory_space<vmem>>
      %dma_start3A_374 = tpu.memref_squeeze %dma_start3A_373 : memref<1x1x64x64xf32, #tpu.memory_space<vmem>> -> memref<64x64xf32, #tpu.memory_space<vmem>>
      %dma_start3A_375 = arith.constant 0 : i32
      %dma_start3A_376 = tpu.memref_slice %arg4[%mul3A_303, %dma_start3A_375] : memref<409600x128xf32, #tpu.memory_space<hbm>> -> memref<64x64xf32, #tpu.memory_space<hbm>>
      %dma_start3A_377 = arith.constant 0 : i32
      %dma_start3A_378 = tpu.memref_slice %arg4[%mul3A_303, %dma_start3A_377] : memref<409600x128xf32, #tpu.memory_space<hbm>> -> memref<64x64xf32, #tpu.memory_space<hbm>>
      %dma_start3A_379 = arith.constant 0 : i32
      %dma_start3A_380 = arith.constant 0 : i32
      %dma_start3A_381 = tpu.memref_slice %arg6[%dma_start3A_369, %dma_start3A_370, %dma_start3A_379, %dma_start3A_380] : memref<2x4x128x64xf32, #tpu.memory_space<vmem>> -> memref<1x1x64x64xf32, #tpu.memory_space<vmem>>
      %dma_start3A_382 = tpu.memref_squeeze %dma_start3A_381 : memref<1x1x64x64xf32, #tpu.memory_space<vmem>> -> memref<64x64xf32, #tpu.memory_space<vmem>>
      tpu.enqueue_dma source(%dma_start3A_382 : memref<64x64xf32, #tpu.memory_space<vmem>>) target(%dma_start3A_378 : memref<64x64xf32, #tpu.memory_space<hbm>>) target_semaphore(%arg8 : memref<!tpu.dma_semaphore, #tpu.memory_space<semaphore_mem>>)
      %dma_start3A_383 = arith.constant 0 : i32
      %dma_start3A_384 = arith.constant 2 : i32
      %dma_start3A_385 = arith.constant 64 : i32
      %dma_start3A_386 = arith.constant 0 : i32
      %dma_start3A_387 = tpu.memref_slice %arg6[%dma_start3A_383, %dma_start3A_384, %dma_start3A_385, %dma_start3A_386] : memref<2x4x128x64xf32, #tpu.memory_space<vmem>> -> memref<1x1x64x64xf32, #tpu.memory_space<vmem>>
      %dma_start3A_388 = tpu.memref_squeeze %dma_start3A_387 : memref<1x1x64x64xf32, #tpu.memory_space<vmem>> -> memref<64x64xf32, #tpu.memory_space<vmem>>
      %dma_start3A_389 = arith.constant 64 : i32
      %dma_start3A_390 = tpu.memref_slice %arg4[%mul3A_303, %dma_start3A_389] : memref<409600x128xf32, #tpu.memory_space<hbm>> -> memref<64x64xf32, #tpu.memory_space<hbm>>
      %dma_start3A_391 = arith.constant 64 : i32
      %dma_start3A_392 = tpu.memref_slice %arg4[%mul3A_303, %dma_start3A_391] : memref<409600x128xf32, #tpu.memory_space<hbm>> -> memref<64x64xf32, #tpu.memory_space<hbm>>
      %dma_start3A_393 = arith.constant 64 : i32
      %dma_start3A_394 = arith.constant 0 : i32
      %dma_start3A_395 = tpu.memref_slice %arg6[%dma_start3A_383, %dma_start3A_384, %dma_start3A_393, %dma_start3A_394] : memref<2x4x128x64xf32, #tpu.memory_space<vmem>> -> memref<1x1x64x64xf32, #tpu.memory_space<vmem>>
      %dma_start3A_396 = tpu.memref_squeeze %dma_start3A_395 : memref<1x1x64x64xf32, #tpu.memory_space<vmem>> -> memref<64x64xf32, #tpu.memory_space<vmem>>
      tpu.enqueue_dma source(%dma_start3A_396 : memref<64x64xf32, #tpu.memory_space<vmem>>) target(%dma_start3A_392 : memref<64x64xf32, #tpu.memory_space<hbm>>) target_semaphore(%arg8 : memref<!tpu.dma_semaphore, #tpu.memory_space<semaphore_mem>>)
      %dma_start3A_397 = arith.constant 0 : i32
      %dma_start3A_398 = arith.constant 3 : i32
      %dma_start3A_399 = arith.constant 0 : i32
      %dma_start3A_400 = arith.constant 0 : i32
      %dma_start3A_401 = tpu.memref_slice %arg6[%dma_start3A_397, %dma_start3A_398, %dma_start3A_399, %dma_start3A_400] : memref<2x4x128x64xf32, #tpu.memory_space<vmem>> -> memref<1x1x64x64xf32, #tpu.memory_space<vmem>>
      %dma_start3A_402 = tpu.memref_squeeze %dma_start3A_401 : memref<1x1x64x64xf32, #tpu.memory_space<vmem>> -> memref<64x64xf32, #tpu.memory_space<vmem>>
      %dma_start3A_403 = arith.constant 0 : i32
      %dma_start3A_404 = tpu.memref_slice %arg4[%mul3A_312, %dma_start3A_403] : memref<409600x128xf32, #tpu.memory_space<hbm>> -> memref<64x64xf32, #tpu.memory_space<hbm>>
      %dma_start3A_405 = arith.constant 0 : i32
      %dma_start3A_406 = tpu.memref_slice %arg4[%mul3A_312, %dma_start3A_405] : memref<409600x128xf32, #tpu.memory_space<hbm>> -> memref<64x64xf32, #tpu.memory_space<hbm>>
      %dma_start3A_407 = arith.constant 0 : i32
      %dma_start3A_408 = arith.constant 0 : i32
      %dma_start3A_409 = tpu.memref_slice %arg6[%dma_start3A_397, %dma_start3A_398, %dma_start3A_407, %dma_start3A_408] : memref<2x4x128x64xf32, #tpu.memory_space<vmem>> -> memref<1x1x64x64xf32, #tpu.memory_space<vmem>>
      %dma_start3A_410 = tpu.memref_squeeze %dma_start3A_409 : memref<1x1x64x64xf32, #tpu.memory_space<vmem>> -> memref<64x64xf32, #tpu.memory_space<vmem>>
      tpu.enqueue_dma source(%dma_start3A_410 : memref<64x64xf32, #tpu.memory_space<vmem>>) target(%dma_start3A_406 : memref<64x64xf32, #tpu.memory_space<hbm>>) target_semaphore(%arg8 : memref<!tpu.dma_semaphore, #tpu.memory_space<semaphore_mem>>)
      %dma_start3A_411 = arith.constant 0 : i32
      %dma_start3A_412 = arith.constant 3 : i32
      %dma_start3A_413 = arith.constant 64 : i32
      %dma_start3A_414 = arith.constant 0 : i32
      %dma_start3A_415 = tpu.memref_slice %arg6[%dma_start3A_411, %dma_start3A_412, %dma_start3A_413, %dma_start3A_414] : memref<2x4x128x64xf32, #tpu.memory_space<vmem>> -> memref<1x1x64x64xf32, #tpu.memory_space<vmem>>
      %dma_start3A_416 = tpu.memref_squeeze %dma_start3A_415 : memref<1x1x64x64xf32, #tpu.memory_space<vmem>> -> memref<64x64xf32, #tpu.memory_space<vmem>>
      %dma_start3A_417 = arith.constant 64 : i32
      %dma_start3A_418 = tpu.memref_slice %arg4[%mul3A_312, %dma_start3A_417] : memref<409600x128xf32, #tpu.memory_space<hbm>> -> memref<64x64xf32, #tpu.memory_space<hbm>>
      %dma_start3A_419 = arith.constant 64 : i32
      %dma_start3A_420 = tpu.memref_slice %arg4[%mul3A_312, %dma_start3A_419] : memref<409600x128xf32, #tpu.memory_space<hbm>> -> memref<64x64xf32, #tpu.memory_space<hbm>>
      %dma_start3A_421 = arith.constant 64 : i32
      %dma_start3A_422 = arith.constant 0 : i32
      %dma_start3A_423 = tpu.memref_slice %arg6[%dma_start3A_411, %dma_start3A_412, %dma_start3A_421, %dma_start3A_422] : memref<2x4x128x64xf32, #tpu.memory_space<vmem>> -> memref<1x1x64x64xf32, #tpu.memory_space<vmem>>
      %dma_start3A_424 = tpu.memref_squeeze %dma_start3A_423 : memref<1x1x64x64xf32, #tpu.memory_space<vmem>> -> memref<64x64xf32, #tpu.memory_space<vmem>>
      tpu.enqueue_dma source(%dma_start3A_424 : memref<64x64xf32, #tpu.memory_space<vmem>>) target(%dma_start3A_420 : memref<64x64xf32, #tpu.memory_space<hbm>>) target_semaphore(%arg8 : memref<!tpu.dma_semaphore, #tpu.memory_space<semaphore_mem>>)
      %mul3A_425 = arith.constant 2 : i32
      %mul3A_426 = arith.muli %mul3A_425, %scan3A_202 : i32
      %add3A_427 = arith.constant 1 : i32
      %add3A_428 = arith.addi %mul3A_426, %add3A_427 : i32
      %mul3A_429 = arith.constant 4 : i32
      %mul3A_430 = arith.muli %add3A_428, %mul3A_429 : i32
      %add3A_431 = arith.constant 0 : i32
      %add3A_432 = arith.addi %mul3A_430, %add3A_431 : i32
      %dma_wait3A_433 = arith.constant 1 : i32
      %dma_wait3A_434 = arith.constant 0 : i32
      %dma_wait3A_435 = arith.constant 0 : i32
      %dma_wait3A_436 = arith.constant 0 : i32
      %dma_wait3A_437 = tpu.memref_slice %arg6[%dma_wait3A_433, %dma_wait3A_434, %dma_wait3A_435, %dma_wait3A_436] : memref<2x4x128x64xf32, #tpu.memory_space<vmem>> -> memref<1x1x128x64xf32, #tpu.memory_space<vmem>>
      %dma_wait3A_438 = tpu.memref_squeeze %dma_wait3A_437 : memref<1x1x128x64xf32, #tpu.memory_space<vmem>> -> memref<128x64xf32, #tpu.memory_space<vmem>>
      %dma_wait3A_439 = arith.constant 0 : i32
      %dma_wait3A_440 = tpu.memref_slice %arg5[%add3A_432, %dma_wait3A_439] : memref<200x128xi32, #tpu.memory_space<vmem>> -> memref<1x128xi32, #tpu.memory_space<vmem>>
      %dma_wait3A_441 = tpu.memref_squeeze %dma_wait3A_440 : memref<1x128xi32, #tpu.memory_space<vmem>> -> memref<128xi32, #tpu.memory_space<vmem>>
      %dma_wait3A_442 = arith.constant 0 : i32
      %dma_wait3A_443 = arith.constant 0 : i32
      %dma_wait3A_444 = tpu.memref_slice %arg2[%dma_wait3A_442, %dma_wait3A_443] : memref<1000000x64xf32, #tpu.memory_space<hbm>> -> memref<1000000x64xf32, #tpu.memory_space<hbm>>
      tpu.wait_indirect_dma semaphore(%arg7 : memref<!tpu.dma_semaphore, #tpu.memory_space<semaphore_mem>>) src(%dma_wait3A_444 : memref<1000000x64xf32, #tpu.memory_space<hbm>>) dst(%dma_wait3A_438 : memref<128x64xf32, #tpu.memory_space<vmem>>)
      %mul3A_445 = arith.constant 4 : i32
      %mul3A_446 = arith.muli %add3A_428, %mul3A_445 : i32
      %add3A_447 = arith.constant 1 : i32
      %add3A_448 = arith.addi %mul3A_446, %add3A_447 : i32
      %dma_wait3A_449 = arith.constant 1 : i32
      %dma_wait3A_450 = arith.constant 1 : i32
      %dma_wait3A_451 = arith.constant 0 : i32
      %dma_wait3A_452 = arith.constant 0 : i32
      %dma_wait3A_453 = tpu.memref_slice %arg6[%dma_wait3A_449, %dma_wait3A_450, %dma_wait3A_451, %dma_wait3A_452] : memref<2x4x128x64xf32, #tpu.memory_space<vmem>> -> memref<1x1x128x64xf32, #tpu.memory_space<vmem>>
      %dma_wait3A_454 = tpu.memref_squeeze %dma_wait3A_453 : memref<1x1x128x64xf32, #tpu.memory_space<vmem>> -> memref<128x64xf32, #tpu.memory_space<vmem>>
      %dma_wait3A_455 = arith.constant 0 : i32
      %dma_wait3A_456 = tpu.memref_slice %arg5[%add3A_448, %dma_wait3A_455] : memref<200x128xi32, #tpu.memory_space<vmem>> -> memref<1x128xi32, #tpu.memory_space<vmem>>
      %dma_wait3A_457 = tpu.memref_squeeze %dma_wait3A_456 : memref<1x128xi32, #tpu.memory_space<vmem>> -> memref<128xi32, #tpu.memory_space<vmem>>
      %dma_wait3A_458 = arith.constant 0 : i32
      %dma_wait3A_459 = arith.constant 0 : i32
      %dma_wait3A_460 = tpu.memref_slice %arg2[%dma_wait3A_458, %dma_wait3A_459] : memref<1000000x64xf32, #tpu.memory_space<hbm>> -> memref<1000000x64xf32, #tpu.memory_space<hbm>>
      tpu.wait_indirect_dma semaphore(%arg7 : memref<!tpu.dma_semaphore, #tpu.memory_space<semaphore_mem>>) src(%dma_wait3A_460 : memref<1000000x64xf32, #tpu.memory_space<hbm>>) dst(%dma_wait3A_454 : memref<128x64xf32, #tpu.memory_space<vmem>>)
      %mul3A_461 = arith.constant 4 : i32
      %mul3A_462 = arith.muli %add3A_428, %mul3A_461 : i32
      %add3A_463 = arith.constant 2 : i32
      %add3A_464 = arith.addi %mul3A_462, %add3A_463 : i32
      %dma_wait3A_465 = arith.constant 1 : i32
      %dma_wait3A_466 = arith.constant 2 : i32
      %dma_wait3A_467 = arith.constant 0 : i32
      %dma_wait3A_468 = arith.constant 0 : i32
      %dma_wait3A_469 = tpu.memref_slice %arg6[%dma_wait3A_465, %dma_wait3A_466, %dma_wait3A_467, %dma_wait3A_468] : memref<2x4x128x64xf32, #tpu.memory_space<vmem>> -> memref<1x1x128x64xf32, #tpu.memory_space<vmem>>
      %dma_wait3A_470 = tpu.memref_squeeze %dma_wait3A_469 : memref<1x1x128x64xf32, #tpu.memory_space<vmem>> -> memref<128x64xf32, #tpu.memory_space<vmem>>
      %dma_wait3A_471 = arith.constant 0 : i32
      %dma_wait3A_472 = tpu.memref_slice %arg5[%add3A_464, %dma_wait3A_471] : memref<200x128xi32, #tpu.memory_space<vmem>> -> memref<1x128xi32, #tpu.memory_space<vmem>>
      %dma_wait3A_473 = tpu.memref_squeeze %dma_wait3A_472 : memref<1x128xi32, #tpu.memory_space<vmem>> -> memref<128xi32, #tpu.memory_space<vmem>>
      %dma_wait3A_474 = arith.constant 0 : i32
      %dma_wait3A_475 = arith.constant 0 : i32
      %dma_wait3A_476 = tpu.memref_slice %arg2[%dma_wait3A_474, %dma_wait3A_475] : memref<1000000x64xf32, #tpu.memory_space<hbm>> -> memref<1000000x64xf32, #tpu.memory_space<hbm>>
      tpu.wait_indirect_dma semaphore(%arg7 : memref<!tpu.dma_semaphore, #tpu.memory_space<semaphore_mem>>) src(%dma_wait3A_476 : memref<1000000x64xf32, #tpu.memory_space<hbm>>) dst(%dma_wait3A_470 : memref<128x64xf32, #tpu.memory_space<vmem>>)
      %mul3A_477 = arith.constant 4 : i32
      %mul3A_478 = arith.muli %add3A_428, %mul3A_477 : i32
      %add3A_479 = arith.constant 3 : i32
      %add3A_480 = arith.addi %mul3A_478, %add3A_479 : i32
      %dma_wait3A_481 = arith.constant 1 : i32
      %dma_wait3A_482 = arith.constant 3 : i32
      %dma_wait3A_483 = arith.constant 0 : i32
      %dma_wait3A_484 = arith.constant 0 : i32
      %dma_wait3A_485 = tpu.memref_slice %arg6[%dma_wait3A_481, %dma_wait3A_482, %dma_wait3A_483, %dma_wait3A_484] : memref<2x4x128x64xf32, #tpu.memory_space<vmem>> -> memref<1x1x128x64xf32, #tpu.memory_space<vmem>>
      %dma_wait3A_486 = tpu.memref_squeeze %dma_wait3A_485 : memref<1x1x128x64xf32, #tpu.memory_space<vmem>> -> memref<128x64xf32, #tpu.memory_space<vmem>>
      %dma_wait3A_487 = arith.constant 0 : i32
      %dma_wait3A_488 = tpu.memref_slice %arg5[%add3A_480, %dma_wait3A_487] : memref<200x128xi32, #tpu.memory_space<vmem>> -> memref<1x128xi32, #tpu.memory_space<vmem>>
      %dma_wait3A_489 = tpu.memref_squeeze %dma_wait3A_488 : memref<1x128xi32, #tpu.memory_space<vmem>> -> memref<128xi32, #tpu.memory_space<vmem>>
      %dma_wait3A_490 = arith.constant 0 : i32
      %dma_wait3A_491 = arith.constant 0 : i32
      %dma_wait3A_492 = tpu.memref_slice %arg2[%dma_wait3A_490, %dma_wait3A_491] : memref<1000000x64xf32, #tpu.memory_space<hbm>> -> memref<1000000x64xf32, #tpu.memory_space<hbm>>
      tpu.wait_indirect_dma semaphore(%arg7 : memref<!tpu.dma_semaphore, #tpu.memory_space<semaphore_mem>>) src(%dma_wait3A_492 : memref<1000000x64xf32, #tpu.memory_space<hbm>>) dst(%dma_wait3A_486 : memref<128x64xf32, #tpu.memory_space<vmem>>)
      %ge3A_493 = arith.constant 1 : i32
      %ge3A_494 = arith.cmpi sge, %add3A_428, %ge3A_493 : i32
      %convert_element_type3A_495 = arith.extui %ge3A_494 : i1 to i32
      %cond3A_496 = arith.constant 0 : i32
      %cond3A_497 = arith.cmpi ne, %convert_element_type3A_495, %cond3A_496 : i32
      scf.if %cond3A_497 {
        %sub3A = arith.constant 1 : i32
        %sub3A_653 = arith.subi %add3A_428, %sub3A : i32
        %mul3A_654 = arith.constant 200 : i32
        %mul3A_655 = arith.muli %add3A, %mul3A_654 : i32
        %mul3A_656 = arith.constant 4 : i32
        %mul3A_657 = arith.muli %sub3A_653, %mul3A_656 : i32
        %add3A_658 = arith.addi %mul3A_655, %mul3A_657 : i32
        %add3A_659 = arith.constant 0 : i32
        %add3A_660 = arith.addi %add3A_658, %add3A_659 : i32
        %mul3A_661 = arith.constant 64 : i32
        %mul3A_662 = arith.muli %add3A_660, %mul3A_661 : i32
        %mul3A_663 = arith.constant 200 : i32
        %mul3A_664 = arith.muli %add3A, %mul3A_663 : i32
        %mul3A_665 = arith.constant 4 : i32
        %mul3A_666 = arith.muli %sub3A_653, %mul3A_665 : i32
        %add3A_667 = arith.addi %mul3A_664, %mul3A_666 : i32
        %add3A_668 = arith.constant 1 : i32
        %add3A_669 = arith.addi %add3A_667, %add3A_668 : i32
        %mul3A_670 = arith.constant 64 : i32
        %mul3A_671 = arith.muli %add3A_669, %mul3A_670 : i32
        %mul3A_672 = arith.constant 200 : i32
        %mul3A_673 = arith.muli %add3A, %mul3A_672 : i32
        %mul3A_674 = arith.constant 4 : i32
        %mul3A_675 = arith.muli %sub3A_653, %mul3A_674 : i32
        %add3A_676 = arith.addi %mul3A_673, %mul3A_675 : i32
        %add3A_677 = arith.constant 2 : i32
        %add3A_678 = arith.addi %add3A_676, %add3A_677 : i32
        %mul3A_679 = arith.constant 64 : i32
        %mul3A_680 = arith.muli %add3A_678, %mul3A_679 : i32
        %mul3A_681 = arith.constant 200 : i32
        %mul3A_682 = arith.muli %add3A, %mul3A_681 : i32
        %mul3A_683 = arith.constant 4 : i32
        %mul3A_684 = arith.muli %sub3A_653, %mul3A_683 : i32
        %add3A_685 = arith.addi %mul3A_682, %mul3A_684 : i32
        %add3A_686 = arith.constant 3 : i32
        %add3A_687 = arith.addi %add3A_685, %add3A_686 : i32
        %mul3A_688 = arith.constant 64 : i32
        %mul3A_689 = arith.muli %add3A_687, %mul3A_688 : i32
        %dma_wait3A_690 = arith.constant 0 : i32
        %dma_wait3A_691 = arith.constant 0 : i32
        %dma_wait3A_692 = arith.constant 0 : i32
        %dma_wait3A_693 = arith.constant 0 : i32
        %dma_wait3A_694 = tpu.memref_slice %arg6[%dma_wait3A_690, %dma_wait3A_691, %dma_wait3A_692, %dma_wait3A_693] : memref<2x4x128x64xf32, #tpu.memory_space<vmem>> -> memref<1x1x64x64xf32, #tpu.memory_space<vmem>>
        %dma_wait3A_695 = tpu.memref_squeeze %dma_wait3A_694 : memref<1x1x64x64xf32, #tpu.memory_space<vmem>> -> memref<64x64xf32, #tpu.memory_space<vmem>>
        %dma_wait3A_696 = arith.constant 0 : i32
        %dma_wait3A_697 = tpu.memref_slice %arg4[%mul3A_662, %dma_wait3A_696] : memref<409600x128xf32, #tpu.memory_space<hbm>> -> memref<64x64xf32, #tpu.memory_space<hbm>>
        %dma_wait3A_698 = arith.constant 0 : i32
        %dma_wait3A_699 = tpu.memref_slice %arg4[%mul3A_662, %dma_wait3A_698] : memref<409600x128xf32, #tpu.memory_space<hbm>> -> memref<64x64xf32, #tpu.memory_space<hbm>>
        %dma_wait3A_700 = arith.constant 0 : i32
        %dma_wait3A_701 = arith.constant 0 : i32
        %dma_wait3A_702 = tpu.memref_slice %arg6[%dma_wait3A_690, %dma_wait3A_691, %dma_wait3A_700, %dma_wait3A_701] : memref<2x4x128x64xf32, #tpu.memory_space<vmem>> -> memref<1x1x64x64xf32, #tpu.memory_space<vmem>>
        %dma_wait3A_703 = tpu.memref_squeeze %dma_wait3A_702 : memref<1x1x64x64xf32, #tpu.memory_space<vmem>> -> memref<64x64xf32, #tpu.memory_space<vmem>>
        tpu.wait_dma2 semaphore(%arg8 : memref<!tpu.dma_semaphore, #tpu.memory_space<semaphore_mem>>) src(%dma_wait3A_703 : memref<64x64xf32, #tpu.memory_space<vmem>>) dst(%dma_wait3A_699 : memref<64x64xf32, #tpu.memory_space<hbm>>)
        %dma_wait3A_704 = arith.constant 0 : i32
        %dma_wait3A_705 = arith.constant 0 : i32
        %dma_wait3A_706 = arith.constant 64 : i32
        %dma_wait3A_707 = arith.constant 0 : i32
        %dma_wait3A_708 = tpu.memref_slice %arg6[%dma_wait3A_704, %dma_wait3A_705, %dma_wait3A_706, %dma_wait3A_707] : memref<2x4x128x64xf32, #tpu.memory_space<vmem>> -> memref<1x1x64x64xf32, #tpu.memory_space<vmem>>
        %dma_wait3A_709 = tpu.memref_squeeze %dma_wait3A_708 : memref<1x1x64x64xf32, #tpu.memory_space<vmem>> -> memref<64x64xf32, #tpu.memory_space<vmem>>
        %dma_wait3A_710 = arith.constant 64 : i32
        %dma_wait3A_711 = tpu.memref_slice %arg4[%mul3A_662, %dma_wait3A_710] : memref<409600x128xf32, #tpu.memory_space<hbm>> -> memref<64x64xf32, #tpu.memory_space<hbm>>
        %dma_wait3A_712 = arith.constant 64 : i32
        %dma_wait3A_713 = tpu.memref_slice %arg4[%mul3A_662, %dma_wait3A_712] : memref<409600x128xf32, #tpu.memory_space<hbm>> -> memref<64x64xf32, #tpu.memory_space<hbm>>
        %dma_wait3A_714 = arith.constant 64 : i32
        %dma_wait3A_715 = arith.constant 0 : i32
        %dma_wait3A_716 = tpu.memref_slice %arg6[%dma_wait3A_704, %dma_wait3A_705, %dma_wait3A_714, %dma_wait3A_715] : memref<2x4x128x64xf32, #tpu.memory_space<vmem>> -> memref<1x1x64x64xf32, #tpu.memory_space<vmem>>
        %dma_wait3A_717 = tpu.memref_squeeze %dma_wait3A_716 : memref<1x1x64x64xf32, #tpu.memory_space<vmem>> -> memref<64x64xf32, #tpu.memory_space<vmem>>
        tpu.wait_dma2 semaphore(%arg8 : memref<!tpu.dma_semaphore, #tpu.memory_space<semaphore_mem>>) src(%dma_wait3A_717 : memref<64x64xf32, #tpu.memory_space<vmem>>) dst(%dma_wait3A_713 : memref<64x64xf32, #tpu.memory_space<hbm>>)
        %dma_wait3A_718 = arith.constant 0 : i32
        %dma_wait3A_719 = arith.constant 1 : i32
        %dma_wait3A_720 = arith.constant 0 : i32
        %dma_wait3A_721 = arith.constant 0 : i32
        %dma_wait3A_722 = tpu.memref_slice %arg6[%dma_wait3A_718, %dma_wait3A_719, %dma_wait3A_720, %dma_wait3A_721] : memref<2x4x128x64xf32, #tpu.memory_space<vmem>> -> memref<1x1x64x64xf32, #tpu.memory_space<vmem>>
        %dma_wait3A_723 = tpu.memref_squeeze %dma_wait3A_722 : memref<1x1x64x64xf32, #tpu.memory_space<vmem>> -> memref<64x64xf32, #tpu.memory_space<vmem>>
        %dma_wait3A_724 = arith.constant 0 : i32
        %dma_wait3A_725 = tpu.memref_slice %arg4[%mul3A_671, %dma_wait3A_724] : memref<409600x128xf32, #tpu.memory_space<hbm>> -> memref<64x64xf32, #tpu.memory_space<hbm>>
        %dma_wait3A_726 = arith.constant 0 : i32
        %dma_wait3A_727 = tpu.memref_slice %arg4[%mul3A_671, %dma_wait3A_726] : memref<409600x128xf32, #tpu.memory_space<hbm>> -> memref<64x64xf32, #tpu.memory_space<hbm>>
        %dma_wait3A_728 = arith.constant 0 : i32
        %dma_wait3A_729 = arith.constant 0 : i32
        %dma_wait3A_730 = tpu.memref_slice %arg6[%dma_wait3A_718, %dma_wait3A_719, %dma_wait3A_728, %dma_wait3A_729] : memref<2x4x128x64xf32, #tpu.memory_space<vmem>> -> memref<1x1x64x64xf32, #tpu.memory_space<vmem>>
        %dma_wait3A_731 = tpu.memref_squeeze %dma_wait3A_730 : memref<1x1x64x64xf32, #tpu.memory_space<vmem>> -> memref<64x64xf32, #tpu.memory_space<vmem>>
        tpu.wait_dma2 semaphore(%arg8 : memref<!tpu.dma_semaphore, #tpu.memory_space<semaphore_mem>>) src(%dma_wait3A_731 : memref<64x64xf32, #tpu.memory_space<vmem>>) dst(%dma_wait3A_727 : memref<64x64xf32, #tpu.memory_space<hbm>>)
        %dma_wait3A_732 = arith.constant 0 : i32
        %dma_wait3A_733 = arith.constant 1 : i32
        %dma_wait3A_734 = arith.constant 64 : i32
        %dma_wait3A_735 = arith.constant 0 : i32
        %dma_wait3A_736 = tpu.memref_slice %arg6[%dma_wait3A_732, %dma_wait3A_733, %dma_wait3A_734, %dma_wait3A_735] : memref<2x4x128x64xf32, #tpu.memory_space<vmem>> -> memref<1x1x64x64xf32, #tpu.memory_space<vmem>>
        %dma_wait3A_737 = tpu.memref_squeeze %dma_wait3A_736 : memref<1x1x64x64xf32, #tpu.memory_space<vmem>> -> memref<64x64xf32, #tpu.memory_space<vmem>>
        %dma_wait3A_738 = arith.constant 64 : i32
        %dma_wait3A_739 = tpu.memref_slice %arg4[%mul3A_671, %dma_wait3A_738] : memref<409600x128xf32, #tpu.memory_space<hbm>> -> memref<64x64xf32, #tpu.memory_space<hbm>>
        %dma_wait3A_740 = arith.constant 64 : i32
        %dma_wait3A_741 = tpu.memref_slice %arg4[%mul3A_671, %dma_wait3A_740] : memref<409600x128xf32, #tpu.memory_space<hbm>> -> memref<64x64xf32, #tpu.memory_space<hbm>>
        %dma_wait3A_742 = arith.constant 64 : i32
        %dma_wait3A_743 = arith.constant 0 : i32
        %dma_wait3A_744 = tpu.memref_slice %arg6[%dma_wait3A_732, %dma_wait3A_733, %dma_wait3A_742, %dma_wait3A_743] : memref<2x4x128x64xf32, #tpu.memory_space<vmem>> -> memref<1x1x64x64xf32, #tpu.memory_space<vmem>>
        %dma_wait3A_745 = tpu.memref_squeeze %dma_wait3A_744 : memref<1x1x64x64xf32, #tpu.memory_space<vmem>> -> memref<64x64xf32, #tpu.memory_space<vmem>>
        tpu.wait_dma2 semaphore(%arg8 : memref<!tpu.dma_semaphore, #tpu.memory_space<semaphore_mem>>) src(%dma_wait3A_745 : memref<64x64xf32, #tpu.memory_space<vmem>>) dst(%dma_wait3A_741 : memref<64x64xf32, #tpu.memory_space<hbm>>)
        %dma_wait3A_746 = arith.constant 0 : i32
        %dma_wait3A_747 = arith.constant 2 : i32
        %dma_wait3A_748 = arith.constant 0 : i32
        %dma_wait3A_749 = arith.constant 0 : i32
        %dma_wait3A_750 = tpu.memref_slice %arg6[%dma_wait3A_746, %dma_wait3A_747, %dma_wait3A_748, %dma_wait3A_749] : memref<2x4x128x64xf32, #tpu.memory_space<vmem>> -> memref<1x1x64x64xf32, #tpu.memory_space<vmem>>
        %dma_wait3A_751 = tpu.memref_squeeze %dma_wait3A_750 : memref<1x1x64x64xf32, #tpu.memory_space<vmem>> -> memref<64x64xf32, #tpu.memory_space<vmem>>
        %dma_wait3A_752 = arith.constant 0 : i32
        %dma_wait3A_753 = tpu.memref_slice %arg4[%mul3A_680, %dma_wait3A_752] : memref<409600x128xf32, #tpu.memory_space<hbm>> -> memref<64x64xf32, #tpu.memory_space<hbm>>
        %dma_wait3A_754 = arith.constant 0 : i32
        %dma_wait3A_755 = tpu.memref_slice %arg4[%mul3A_680, %dma_wait3A_754] : memref<409600x128xf32, #tpu.memory_space<hbm>> -> memref<64x64xf32, #tpu.memory_space<hbm>>
        %dma_wait3A_756 = arith.constant 0 : i32
        %dma_wait3A_757 = arith.constant 0 : i32
        %dma_wait3A_758 = tpu.memref_slice %arg6[%dma_wait3A_746, %dma_wait3A_747, %dma_wait3A_756, %dma_wait3A_757] : memref<2x4x128x64xf32, #tpu.memory_space<vmem>> -> memref<1x1x64x64xf32, #tpu.memory_space<vmem>>
        %dma_wait3A_759 = tpu.memref_squeeze %dma_wait3A_758 : memref<1x1x64x64xf32, #tpu.memory_space<vmem>> -> memref<64x64xf32, #tpu.memory_space<vmem>>
        tpu.wait_dma2 semaphore(%arg8 : memref<!tpu.dma_semaphore, #tpu.memory_space<semaphore_mem>>) src(%dma_wait3A_759 : memref<64x64xf32, #tpu.memory_space<vmem>>) dst(%dma_wait3A_755 : memref<64x64xf32, #tpu.memory_space<hbm>>)
        %dma_wait3A_760 = arith.constant 0 : i32
        %dma_wait3A_761 = arith.constant 2 : i32
        %dma_wait3A_762 = arith.constant 64 : i32
        %dma_wait3A_763 = arith.constant 0 : i32
        %dma_wait3A_764 = tpu.memref_slice %arg6[%dma_wait3A_760, %dma_wait3A_761, %dma_wait3A_762, %dma_wait3A_763] : memref<2x4x128x64xf32, #tpu.memory_space<vmem>> -> memref<1x1x64x64xf32, #tpu.memory_space<vmem>>
        %dma_wait3A_765 = tpu.memref_squeeze %dma_wait3A_764 : memref<1x1x64x64xf32, #tpu.memory_space<vmem>> -> memref<64x64xf32, #tpu.memory_space<vmem>>
        %dma_wait3A_766 = arith.constant 64 : i32
        %dma_wait3A_767 = tpu.memref_slice %arg4[%mul3A_680, %dma_wait3A_766] : memref<409600x128xf32, #tpu.memory_space<hbm>> -> memref<64x64xf32, #tpu.memory_space<hbm>>
        %dma_wait3A_768 = arith.constant 64 : i32
        %dma_wait3A_769 = tpu.memref_slice %arg4[%mul3A_680, %dma_wait3A_768] : memref<409600x128xf32, #tpu.memory_space<hbm>> -> memref<64x64xf32, #tpu.memory_space<hbm>>
        %dma_wait3A_770 = arith.constant 64 : i32
        %dma_wait3A_771 = arith.constant 0 : i32
        %dma_wait3A_772 = tpu.memref_slice %arg6[%dma_wait3A_760, %dma_wait3A_761, %dma_wait3A_770, %dma_wait3A_771] : memref<2x4x128x64xf32, #tpu.memory_space<vmem>> -> memref<1x1x64x64xf32, #tpu.memory_space<vmem>>
        %dma_wait3A_773 = tpu.memref_squeeze %dma_wait3A_772 : memref<1x1x64x64xf32, #tpu.memory_space<vmem>> -> memref<64x64xf32, #tpu.memory_space<vmem>>
        tpu.wait_dma2 semaphore(%arg8 : memref<!tpu.dma_semaphore, #tpu.memory_space<semaphore_mem>>) src(%dma_wait3A_773 : memref<64x64xf32, #tpu.memory_space<vmem>>) dst(%dma_wait3A_769 : memref<64x64xf32, #tpu.memory_space<hbm>>)
        %dma_wait3A_774 = arith.constant 0 : i32
        %dma_wait3A_775 = arith.constant 3 : i32
        %dma_wait3A_776 = arith.constant 0 : i32
        %dma_wait3A_777 = arith.constant 0 : i32
        %dma_wait3A_778 = tpu.memref_slice %arg6[%dma_wait3A_774, %dma_wait3A_775, %dma_wait3A_776, %dma_wait3A_777] : memref<2x4x128x64xf32, #tpu.memory_space<vmem>> -> memref<1x1x64x64xf32, #tpu.memory_space<vmem>>
        %dma_wait3A_779 = tpu.memref_squeeze %dma_wait3A_778 : memref<1x1x64x64xf32, #tpu.memory_space<vmem>> -> memref<64x64xf32, #tpu.memory_space<vmem>>
        %dma_wait3A_780 = arith.constant 0 : i32
        %dma_wait3A_781 = tpu.memref_slice %arg4[%mul3A_689, %dma_wait3A_780] : memref<409600x128xf32, #tpu.memory_space<hbm>> -> memref<64x64xf32, #tpu.memory_space<hbm>>
        %dma_wait3A_782 = arith.constant 0 : i32
        %dma_wait3A_783 = tpu.memref_slice %arg4[%mul3A_689, %dma_wait3A_782] : memref<409600x128xf32, #tpu.memory_space<hbm>> -> memref<64x64xf32, #tpu.memory_space<hbm>>
        %dma_wait3A_784 = arith.constant 0 : i32
        %dma_wait3A_785 = arith.constant 0 : i32
        %dma_wait3A_786 = tpu.memref_slice %arg6[%dma_wait3A_774, %dma_wait3A_775, %dma_wait3A_784, %dma_wait3A_785] : memref<2x4x128x64xf32, #tpu.memory_space<vmem>> -> memref<1x1x64x64xf32, #tpu.memory_space<vmem>>
        %dma_wait3A_787 = tpu.memref_squeeze %dma_wait3A_786 : memref<1x1x64x64xf32, #tpu.memory_space<vmem>> -> memref<64x64xf32, #tpu.memory_space<vmem>>
        tpu.wait_dma2 semaphore(%arg8 : memref<!tpu.dma_semaphore, #tpu.memory_space<semaphore_mem>>) src(%dma_wait3A_787 : memref<64x64xf32, #tpu.memory_space<vmem>>) dst(%dma_wait3A_783 : memref<64x64xf32, #tpu.memory_space<hbm>>)
        %dma_wait3A_788 = arith.constant 0 : i32
        %dma_wait3A_789 = arith.constant 3 : i32
        %dma_wait3A_790 = arith.constant 64 : i32
        %dma_wait3A_791 = arith.constant 0 : i32
        %dma_wait3A_792 = tpu.memref_slice %arg6[%dma_wait3A_788, %dma_wait3A_789, %dma_wait3A_790, %dma_wait3A_791] : memref<2x4x128x64xf32, #tpu.memory_space<vmem>> -> memref<1x1x64x64xf32, #tpu.memory_space<vmem>>
        %dma_wait3A_793 = tpu.memref_squeeze %dma_wait3A_792 : memref<1x1x64x64xf32, #tpu.memory_space<vmem>> -> memref<64x64xf32, #tpu.memory_space<vmem>>
        %dma_wait3A_794 = arith.constant 64 : i32
        %dma_wait3A_795 = tpu.memref_slice %arg4[%mul3A_689, %dma_wait3A_794] : memref<409600x128xf32, #tpu.memory_space<hbm>> -> memref<64x64xf32, #tpu.memory_space<hbm>>
        %dma_wait3A_796 = arith.constant 64 : i32
        %dma_wait3A_797 = tpu.memref_slice %arg4[%mul3A_689, %dma_wait3A_796] : memref<409600x128xf32, #tpu.memory_space<hbm>> -> memref<64x64xf32, #tpu.memory_space<hbm>>
        %dma_wait3A_798 = arith.constant 64 : i32
        %dma_wait3A_799 = arith.constant 0 : i32
        %dma_wait3A_800 = tpu.memref_slice %arg6[%dma_wait3A_788, %dma_wait3A_789, %dma_wait3A_798, %dma_wait3A_799] : memref<2x4x128x64xf32, #tpu.memory_space<vmem>> -> memref<1x1x64x64xf32, #tpu.memory_space<vmem>>
        %dma_wait3A_801 = tpu.memref_squeeze %dma_wait3A_800 : memref<1x1x64x64xf32, #tpu.memory_space<vmem>> -> memref<64x64xf32, #tpu.memory_space<vmem>>
        tpu.wait_dma2 semaphore(%arg8 : memref<!tpu.dma_semaphore, #tpu.memory_space<semaphore_mem>>) src(%dma_wait3A_801 : memref<64x64xf32, #tpu.memory_space<vmem>>) dst(%dma_wait3A_797 : memref<64x64xf32, #tpu.memory_space<hbm>>)
      } else {
      }
      %add3A_498 = arith.constant 1 : i32
      %add3A_499 = arith.addi %add3A_428, %add3A_498 : i32
      %lt3A_500 = arith.constant 50 : i32
      %lt3A_501 = arith.cmpi slt, %add3A_499, %lt3A_500 : i32
      %convert_element_type3A_502 = arith.extui %lt3A_501 : i1 to i32
      %cond3A_503 = arith.constant 0 : i32
      %cond3A_504 = arith.cmpi ne, %convert_element_type3A_502, %cond3A_503 : i32
      scf.if %cond3A_504 {
        %add3A_653 = arith.constant 1 : i32
        %add3A_654 = arith.addi %add3A_428, %add3A_653 : i32
        %mul3A_655 = arith.constant 4 : i32
        %mul3A_656 = arith.muli %add3A_654, %mul3A_655 : i32
        %add3A_657 = arith.constant 0 : i32
        %add3A_658 = arith.addi %mul3A_656, %add3A_657 : i32
        %dma_start3A_659 = arith.constant 0 : i32
        %dma_start3A_660 = arith.constant 0 : i32
        %dma_start3A_661 = arith.constant 0 : i32
        %dma_start3A_662 = arith.constant 0 : i32
        %dma_start3A_663 = tpu.memref_slice %arg6[%dma_start3A_659, %dma_start3A_660, %dma_start3A_661, %dma_start3A_662] : memref<2x4x128x64xf32, #tpu.memory_space<vmem>> -> memref<1x1x128x64xf32, #tpu.memory_space<vmem>>
        %dma_start3A_664 = tpu.memref_squeeze %dma_start3A_663 : memref<1x1x128x64xf32, #tpu.memory_space<vmem>> -> memref<128x64xf32, #tpu.memory_space<vmem>>
        %dma_start3A_665 = arith.constant 0 : i32
        %dma_start3A_666 = tpu.memref_slice %arg5[%add3A_658, %dma_start3A_665] : memref<200x128xi32, #tpu.memory_space<vmem>> -> memref<1x128xi32, #tpu.memory_space<vmem>>
        %dma_start3A_667 = tpu.memref_squeeze %dma_start3A_666 : memref<1x128xi32, #tpu.memory_space<vmem>> -> memref<128xi32, #tpu.memory_space<vmem>>
        %dma_start3A_668 = arith.constant 0 : i32
        %dma_start3A_669 = arith.constant 0 : i32
        %dma_start3A_670 = tpu.memref_slice %arg2[%dma_start3A_668, %dma_start3A_669] : memref<1000000x64xf32, #tpu.memory_space<hbm>> -> memref<1000000x64xf32, #tpu.memory_space<hbm>>
        tpu.enqueue_indirect_dma source(%dma_start3A_670 : memref<1000000x64xf32, #tpu.memory_space<hbm>>) target(%dma_start3A_664 : memref<128x64xf32, #tpu.memory_space<vmem>>) offsets(%dma_start3A_667 : memref<128xi32, #tpu.memory_space<vmem>>) semaphore(%arg7 : memref<!tpu.dma_semaphore, #tpu.memory_space<semaphore_mem>>)
        %mul3A_671 = arith.constant 4 : i32
        %mul3A_672 = arith.muli %add3A_654, %mul3A_671 : i32
        %add3A_673 = arith.constant 1 : i32
        %add3A_674 = arith.addi %mul3A_672, %add3A_673 : i32
        %dma_start3A_675 = arith.constant 0 : i32
        %dma_start3A_676 = arith.constant 1 : i32
        %dma_start3A_677 = arith.constant 0 : i32
        %dma_start3A_678 = arith.constant 0 : i32
        %dma_start3A_679 = tpu.memref_slice %arg6[%dma_start3A_675, %dma_start3A_676, %dma_start3A_677, %dma_start3A_678] : memref<2x4x128x64xf32, #tpu.memory_space<vmem>> -> memref<1x1x128x64xf32, #tpu.memory_space<vmem>>
        %dma_start3A_680 = tpu.memref_squeeze %dma_start3A_679 : memref<1x1x128x64xf32, #tpu.memory_space<vmem>> -> memref<128x64xf32, #tpu.memory_space<vmem>>
        %dma_start3A_681 = arith.constant 0 : i32
        %dma_start3A_682 = tpu.memref_slice %arg5[%add3A_674, %dma_start3A_681] : memref<200x128xi32, #tpu.memory_space<vmem>> -> memref<1x128xi32, #tpu.memory_space<vmem>>
        %dma_start3A_683 = tpu.memref_squeeze %dma_start3A_682 : memref<1x128xi32, #tpu.memory_space<vmem>> -> memref<128xi32, #tpu.memory_space<vmem>>
        %dma_start3A_684 = arith.constant 0 : i32
        %dma_start3A_685 = arith.constant 0 : i32
        %dma_start3A_686 = tpu.memref_slice %arg2[%dma_start3A_684, %dma_start3A_685] : memref<1000000x64xf32, #tpu.memory_space<hbm>> -> memref<1000000x64xf32, #tpu.memory_space<hbm>>
        tpu.enqueue_indirect_dma source(%dma_start3A_686 : memref<1000000x64xf32, #tpu.memory_space<hbm>>) target(%dma_start3A_680 : memref<128x64xf32, #tpu.memory_space<vmem>>) offsets(%dma_start3A_683 : memref<128xi32, #tpu.memory_space<vmem>>) semaphore(%arg7 : memref<!tpu.dma_semaphore, #tpu.memory_space<semaphore_mem>>)
        %mul3A_687 = arith.constant 4 : i32
        %mul3A_688 = arith.muli %add3A_654, %mul3A_687 : i32
        %add3A_689 = arith.constant 2 : i32
        %add3A_690 = arith.addi %mul3A_688, %add3A_689 : i32
        %dma_start3A_691 = arith.constant 0 : i32
        %dma_start3A_692 = arith.constant 2 : i32
        %dma_start3A_693 = arith.constant 0 : i32
        %dma_start3A_694 = arith.constant 0 : i32
        %dma_start3A_695 = tpu.memref_slice %arg6[%dma_start3A_691, %dma_start3A_692, %dma_start3A_693, %dma_start3A_694] : memref<2x4x128x64xf32, #tpu.memory_space<vmem>> -> memref<1x1x128x64xf32, #tpu.memory_space<vmem>>
        %dma_start3A_696 = tpu.memref_squeeze %dma_start3A_695 : memref<1x1x128x64xf32, #tpu.memory_space<vmem>> -> memref<128x64xf32, #tpu.memory_space<vmem>>
        %dma_start3A_697 = arith.constant 0 : i32
        %dma_start3A_698 = tpu.memref_slice %arg5[%add3A_690, %dma_start3A_697] : memref<200x128xi32, #tpu.memory_space<vmem>> -> memref<1x128xi32, #tpu.memory_space<vmem>>
        %dma_start3A_699 = tpu.memref_squeeze %dma_start3A_698 : memref<1x128xi32, #tpu.memory_space<vmem>> -> memref<128xi32, #tpu.memory_space<vmem>>
        %dma_start3A_700 = arith.constant 0 : i32
        %dma_start3A_701 = arith.constant 0 : i32
        %dma_start3A_702 = tpu.memref_slice %arg2[%dma_start3A_700, %dma_start3A_701] : memref<1000000x64xf32, #tpu.memory_space<hbm>> -> memref<1000000x64xf32, #tpu.memory_space<hbm>>
        tpu.enqueue_indirect_dma source(%dma_start3A_702 : memref<1000000x64xf32, #tpu.memory_space<hbm>>) target(%dma_start3A_696 : memref<128x64xf32, #tpu.memory_space<vmem>>) offsets(%dma_start3A_699 : memref<128xi32, #tpu.memory_space<vmem>>) semaphore(%arg7 : memref<!tpu.dma_semaphore, #tpu.memory_space<semaphore_mem>>)
        %mul3A_703 = arith.constant 4 : i32
        %mul3A_704 = arith.muli %add3A_654, %mul3A_703 : i32
        %add3A_705 = arith.constant 3 : i32
        %add3A_706 = arith.addi %mul3A_704, %add3A_705 : i32
        %dma_start3A_707 = arith.constant 0 : i32
        %dma_start3A_708 = arith.constant 3 : i32
        %dma_start3A_709 = arith.constant 0 : i32
        %dma_start3A_710 = arith.constant 0 : i32
        %dma_start3A_711 = tpu.memref_slice %arg6[%dma_start3A_707, %dma_start3A_708, %dma_start3A_709, %dma_start3A_710] : memref<2x4x128x64xf32, #tpu.memory_space<vmem>> -> memref<1x1x128x64xf32, #tpu.memory_space<vmem>>
        %dma_start3A_712 = tpu.memref_squeeze %dma_start3A_711 : memref<1x1x128x64xf32, #tpu.memory_space<vmem>> -> memref<128x64xf32, #tpu.memory_space<vmem>>
        %dma_start3A_713 = arith.constant 0 : i32
        %dma_start3A_714 = tpu.memref_slice %arg5[%add3A_706, %dma_start3A_713] : memref<200x128xi32, #tpu.memory_space<vmem>> -> memref<1x128xi32, #tpu.memory_space<vmem>>
        %dma_start3A_715 = tpu.memref_squeeze %dma_start3A_714 : memref<1x128xi32, #tpu.memory_space<vmem>> -> memref<128xi32, #tpu.memory_space<vmem>>
        %dma_start3A_716 = arith.constant 0 : i32
        %dma_start3A_717 = arith.constant 0 : i32
        %dma_start3A_718 = tpu.memref_slice %arg2[%dma_start3A_716, %dma_start3A_717] : memref<1000000x64xf32, #tpu.memory_space<hbm>> -> memref<1000000x64xf32, #tpu.memory_space<hbm>>
        tpu.enqueue_indirect_dma source(%dma_start3A_718 : memref<1000000x64xf32, #tpu.memory_space<hbm>>) target(%dma_start3A_712 : memref<128x64xf32, #tpu.memory_space<vmem>>) offsets(%dma_start3A_715 : memref<128xi32, #tpu.memory_space<vmem>>) semaphore(%arg7 : memref<!tpu.dma_semaphore, #tpu.memory_space<semaphore_mem>>)
      } else {
      }
      %mul3A_505 = arith.constant 200 : i32
      %mul3A_506 = arith.muli %add3A, %mul3A_505 : i32
      %mul3A_507 = arith.constant 4 : i32
      %mul3A_508 = arith.muli %add3A_428, %mul3A_507 : i32
      %add3A_509 = arith.addi %mul3A_506, %mul3A_508 : i32
      %add3A_510 = arith.constant 0 : i32
      %add3A_511 = arith.addi %add3A_509, %add3A_510 : i32
      %mul3A_512 = arith.constant 64 : i32
      %mul3A_513 = arith.muli %add3A_511, %mul3A_512 : i32
      %mul3A_514 = arith.constant 200 : i32
      %mul3A_515 = arith.muli %add3A, %mul3A_514 : i32
      %mul3A_516 = arith.constant 4 : i32
      %mul3A_517 = arith.muli %add3A_428, %mul3A_516 : i32
      %add3A_518 = arith.addi %mul3A_515, %mul3A_517 : i32
      %add3A_519 = arith.constant 1 : i32
      %add3A_520 = arith.addi %add3A_518, %add3A_519 : i32
      %mul3A_521 = arith.constant 64 : i32
      %mul3A_522 = arith.muli %add3A_520, %mul3A_521 : i32
      %mul3A_523 = arith.constant 200 : i32
      %mul3A_524 = arith.muli %add3A, %mul3A_523 : i32
      %mul3A_525 = arith.constant 4 : i32
      %mul3A_526 = arith.muli %add3A_428, %mul3A_525 : i32
      %add3A_527 = arith.addi %mul3A_524, %mul3A_526 : i32
      %add3A_528 = arith.constant 2 : i32
      %add3A_529 = arith.addi %add3A_527, %add3A_528 : i32
      %mul3A_530 = arith.constant 64 : i32
      %mul3A_531 = arith.muli %add3A_529, %mul3A_530 : i32
      %mul3A_532 = arith.constant 200 : i32
      %mul3A_533 = arith.muli %add3A, %mul3A_532 : i32
      %mul3A_534 = arith.constant 4 : i32
      %mul3A_535 = arith.muli %add3A_428, %mul3A_534 : i32
      %add3A_536 = arith.addi %mul3A_533, %mul3A_535 : i32
      %add3A_537 = arith.constant 3 : i32
      %add3A_538 = arith.addi %add3A_536, %add3A_537 : i32
      %mul3A_539 = arith.constant 64 : i32
      %mul3A_540 = arith.muli %add3A_538, %mul3A_539 : i32
      %dma_start3A_541 = arith.constant 1 : i32
      %dma_start3A_542 = arith.constant 0 : i32
      %dma_start3A_543 = arith.constant 0 : i32
      %dma_start3A_544 = arith.constant 0 : i32
      %dma_start3A_545 = tpu.memref_slice %arg6[%dma_start3A_541, %dma_start3A_542, %dma_start3A_543, %dma_start3A_544] : memref<2x4x128x64xf32, #tpu.memory_space<vmem>> -> memref<1x1x64x64xf32, #tpu.memory_space<vmem>>
      %dma_start3A_546 = tpu.memref_squeeze %dma_start3A_545 : memref<1x1x64x64xf32, #tpu.memory_space<vmem>> -> memref<64x64xf32, #tpu.memory_space<vmem>>
      %dma_start3A_547 = arith.constant 0 : i32
      %dma_start3A_548 = tpu.memref_slice %arg4[%mul3A_513, %dma_start3A_547] : memref<409600x128xf32, #tpu.memory_space<hbm>> -> memref<64x64xf32, #tpu.memory_space<hbm>>
      %dma_start3A_549 = arith.constant 0 : i32
      %dma_start3A_550 = tpu.memref_slice %arg4[%mul3A_513, %dma_start3A_549] : memref<409600x128xf32, #tpu.memory_space<hbm>> -> memref<64x64xf32, #tpu.memory_space<hbm>>
      %dma_start3A_551 = arith.constant 0 : i32
      %dma_start3A_552 = arith.constant 0 : i32
      %dma_start3A_553 = tpu.memref_slice %arg6[%dma_start3A_541, %dma_start3A_542, %dma_start3A_551, %dma_start3A_552] : memref<2x4x128x64xf32, #tpu.memory_space<vmem>> -> memref<1x1x64x64xf32, #tpu.memory_space<vmem>>
      %dma_start3A_554 = tpu.memref_squeeze %dma_start3A_553 : memref<1x1x64x64xf32, #tpu.memory_space<vmem>> -> memref<64x64xf32, #tpu.memory_space<vmem>>
      tpu.enqueue_dma source(%dma_start3A_554 : memref<64x64xf32, #tpu.memory_space<vmem>>) target(%dma_start3A_550 : memref<64x64xf32, #tpu.memory_space<hbm>>) target_semaphore(%arg8 : memref<!tpu.dma_semaphore, #tpu.memory_space<semaphore_mem>>)
      %dma_start3A_555 = arith.constant 1 : i32
      %dma_start3A_556 = arith.constant 0 : i32
      %dma_start3A_557 = arith.constant 64 : i32
      %dma_start3A_558 = arith.constant 0 : i32
      %dma_start3A_559 = tpu.memref_slice %arg6[%dma_start3A_555, %dma_start3A_556, %dma_start3A_557, %dma_start3A_558] : memref<2x4x128x64xf32, #tpu.memory_space<vmem>> -> memref<1x1x64x64xf32, #tpu.memory_space<vmem>>
      %dma_start3A_560 = tpu.memref_squeeze %dma_start3A_559 : memref<1x1x64x64xf32, #tpu.memory_space<vmem>> -> memref<64x64xf32, #tpu.memory_space<vmem>>
      %dma_start3A_561 = arith.constant 64 : i32
      %dma_start3A_562 = tpu.memref_slice %arg4[%mul3A_513, %dma_start3A_561] : memref<409600x128xf32, #tpu.memory_space<hbm>> -> memref<64x64xf32, #tpu.memory_space<hbm>>
      %dma_start3A_563 = arith.constant 64 : i32
      %dma_start3A_564 = tpu.memref_slice %arg4[%mul3A_513, %dma_start3A_563] : memref<409600x128xf32, #tpu.memory_space<hbm>> -> memref<64x64xf32, #tpu.memory_space<hbm>>
      %dma_start3A_565 = arith.constant 64 : i32
      %dma_start3A_566 = arith.constant 0 : i32
      %dma_start3A_567 = tpu.memref_slice %arg6[%dma_start3A_555, %dma_start3A_556, %dma_start3A_565, %dma_start3A_566] : memref<2x4x128x64xf32, #tpu.memory_space<vmem>> -> memref<1x1x64x64xf32, #tpu.memory_space<vmem>>
      %dma_start3A_568 = tpu.memref_squeeze %dma_start3A_567 : memref<1x1x64x64xf32, #tpu.memory_space<vmem>> -> memref<64x64xf32, #tpu.memory_space<vmem>>
      tpu.enqueue_dma source(%dma_start3A_568 : memref<64x64xf32, #tpu.memory_space<vmem>>) target(%dma_start3A_564 : memref<64x64xf32, #tpu.memory_space<hbm>>) target_semaphore(%arg8 : memref<!tpu.dma_semaphore, #tpu.memory_space<semaphore_mem>>)
      %dma_start3A_569 = arith.constant 1 : i32
      %dma_start3A_570 = arith.constant 1 : i32
      %dma_start3A_571 = arith.constant 0 : i32
      %dma_start3A_572 = arith.constant 0 : i32
      %dma_start3A_573 = tpu.memref_slice %arg6[%dma_start3A_569, %dma_start3A_570, %dma_start3A_571, %dma_start3A_572] : memref<2x4x128x64xf32, #tpu.memory_space<vmem>> -> memref<1x1x64x64xf32, #tpu.memory_space<vmem>>
      %dma_start3A_574 = tpu.memref_squeeze %dma_start3A_573 : memref<1x1x64x64xf32, #tpu.memory_space<vmem>> -> memref<64x64xf32, #tpu.memory_space<vmem>>
      %dma_start3A_575 = arith.constant 0 : i32
      %dma_start3A_576 = tpu.memref_slice %arg4[%mul3A_522, %dma_start3A_575] : memref<409600x128xf32, #tpu.memory_space<hbm>> -> memref<64x64xf32, #tpu.memory_space<hbm>>
      %dma_start3A_577 = arith.constant 0 : i32
      %dma_start3A_578 = tpu.memref_slice %arg4[%mul3A_522, %dma_start3A_577] : memref<409600x128xf32, #tpu.memory_space<hbm>> -> memref<64x64xf32, #tpu.memory_space<hbm>>
      %dma_start3A_579 = arith.constant 0 : i32
      %dma_start3A_580 = arith.constant 0 : i32
      %dma_start3A_581 = tpu.memref_slice %arg6[%dma_start3A_569, %dma_start3A_570, %dma_start3A_579, %dma_start3A_580] : memref<2x4x128x64xf32, #tpu.memory_space<vmem>> -> memref<1x1x64x64xf32, #tpu.memory_space<vmem>>
      %dma_start3A_582 = tpu.memref_squeeze %dma_start3A_581 : memref<1x1x64x64xf32, #tpu.memory_space<vmem>> -> memref<64x64xf32, #tpu.memory_space<vmem>>
      tpu.enqueue_dma source(%dma_start3A_582 : memref<64x64xf32, #tpu.memory_space<vmem>>) target(%dma_start3A_578 : memref<64x64xf32, #tpu.memory_space<hbm>>) target_semaphore(%arg8 : memref<!tpu.dma_semaphore, #tpu.memory_space<semaphore_mem>>)
      %dma_start3A_583 = arith.constant 1 : i32
      %dma_start3A_584 = arith.constant 1 : i32
      %dma_start3A_585 = arith.constant 64 : i32
      %dma_start3A_586 = arith.constant 0 : i32
      %dma_start3A_587 = tpu.memref_slice %arg6[%dma_start3A_583, %dma_start3A_584, %dma_start3A_585, %dma_start3A_586] : memref<2x4x128x64xf32, #tpu.memory_space<vmem>> -> memref<1x1x64x64xf32, #tpu.memory_space<vmem>>
      %dma_start3A_588 = tpu.memref_squeeze %dma_start3A_587 : memref<1x1x64x64xf32, #tpu.memory_space<vmem>> -> memref<64x64xf32, #tpu.memory_space<vmem>>
      %dma_start3A_589 = arith.constant 64 : i32
      %dma_start3A_590 = tpu.memref_slice %arg4[%mul3A_522, %dma_start3A_589] : memref<409600x128xf32, #tpu.memory_space<hbm>> -> memref<64x64xf32, #tpu.memory_space<hbm>>
      %dma_start3A_591 = arith.constant 64 : i32
      %dma_start3A_592 = tpu.memref_slice %arg4[%mul3A_522, %dma_start3A_591] : memref<409600x128xf32, #tpu.memory_space<hbm>> -> memref<64x64xf32, #tpu.memory_space<hbm>>
      %dma_start3A_593 = arith.constant 64 : i32
      %dma_start3A_594 = arith.constant 0 : i32
      %dma_start3A_595 = tpu.memref_slice %arg6[%dma_start3A_583, %dma_start3A_584, %dma_start3A_593, %dma_start3A_594] : memref<2x4x128x64xf32, #tpu.memory_space<vmem>> -> memref<1x1x64x64xf32, #tpu.memory_space<vmem>>
      %dma_start3A_596 = tpu.memref_squeeze %dma_start3A_595 : memref<1x1x64x64xf32, #tpu.memory_space<vmem>> -> memref<64x64xf32, #tpu.memory_space<vmem>>
      tpu.enqueue_dma source(%dma_start3A_596 : memref<64x64xf32, #tpu.memory_space<vmem>>) target(%dma_start3A_592 : memref<64x64xf32, #tpu.memory_space<hbm>>) target_semaphore(%arg8 : memref<!tpu.dma_semaphore, #tpu.memory_space<semaphore_mem>>)
      %dma_start3A_597 = arith.constant 1 : i32
      %dma_start3A_598 = arith.constant 2 : i32
      %dma_start3A_599 = arith.constant 0 : i32
      %dma_start3A_600 = arith.constant 0 : i32
      %dma_start3A_601 = tpu.memref_slice %arg6[%dma_start3A_597, %dma_start3A_598, %dma_start3A_599, %dma_start3A_600] : memref<2x4x128x64xf32, #tpu.memory_space<vmem>> -> memref<1x1x64x64xf32, #tpu.memory_space<vmem>>
      %dma_start3A_602 = tpu.memref_squeeze %dma_start3A_601 : memref<1x1x64x64xf32, #tpu.memory_space<vmem>> -> memref<64x64xf32, #tpu.memory_space<vmem>>
      %dma_start3A_603 = arith.constant 0 : i32
      %dma_start3A_604 = tpu.memref_slice %arg4[%mul3A_531, %dma_start3A_603] : memref<409600x128xf32, #tpu.memory_space<hbm>> -> memref<64x64xf32, #tpu.memory_space<hbm>>
      %dma_start3A_605 = arith.constant 0 : i32
      %dma_start3A_606 = tpu.memref_slice %arg4[%mul3A_531, %dma_start3A_605] : memref<409600x128xf32, #tpu.memory_space<hbm>> -> memref<64x64xf32, #tpu.memory_space<hbm>>
      %dma_start3A_607 = arith.constant 0 : i32
      %dma_start3A_608 = arith.constant 0 : i32
      %dma_start3A_609 = tpu.memref_slice %arg6[%dma_start3A_597, %dma_start3A_598, %dma_start3A_607, %dma_start3A_608] : memref<2x4x128x64xf32, #tpu.memory_space<vmem>> -> memref<1x1x64x64xf32, #tpu.memory_space<vmem>>
      %dma_start3A_610 = tpu.memref_squeeze %dma_start3A_609 : memref<1x1x64x64xf32, #tpu.memory_space<vmem>> -> memref<64x64xf32, #tpu.memory_space<vmem>>
      tpu.enqueue_dma source(%dma_start3A_610 : memref<64x64xf32, #tpu.memory_space<vmem>>) target(%dma_start3A_606 : memref<64x64xf32, #tpu.memory_space<hbm>>) target_semaphore(%arg8 : memref<!tpu.dma_semaphore, #tpu.memory_space<semaphore_mem>>)
      %dma_start3A_611 = arith.constant 1 : i32
      %dma_start3A_612 = arith.constant 2 : i32
      %dma_start3A_613 = arith.constant 64 : i32
      %dma_start3A_614 = arith.constant 0 : i32
      %dma_start3A_615 = tpu.memref_slice %arg6[%dma_start3A_611, %dma_start3A_612, %dma_start3A_613, %dma_start3A_614] : memref<2x4x128x64xf32, #tpu.memory_space<vmem>> -> memref<1x1x64x64xf32, #tpu.memory_space<vmem>>
      %dma_start3A_616 = tpu.memref_squeeze %dma_start3A_615 : memref<1x1x64x64xf32, #tpu.memory_space<vmem>> -> memref<64x64xf32, #tpu.memory_space<vmem>>
      %dma_start3A_617 = arith.constant 64 : i32
      %dma_start3A_618 = tpu.memref_slice %arg4[%mul3A_531, %dma_start3A_617] : memref<409600x128xf32, #tpu.memory_space<hbm>> -> memref<64x64xf32, #tpu.memory_space<hbm>>
      %dma_start3A_619 = arith.constant 64 : i32
      %dma_start3A_620 = tpu.memref_slice %arg4[%mul3A_531, %dma_start3A_619] : memref<409600x128xf32, #tpu.memory_space<hbm>> -> memref<64x64xf32, #tpu.memory_space<hbm>>
      %dma_start3A_621 = arith.constant 64 : i32
      %dma_start3A_622 = arith.constant 0 : i32
      %dma_start3A_623 = tpu.memref_slice %arg6[%dma_start3A_611, %dma_start3A_612, %dma_start3A_621, %dma_start3A_622] : memref<2x4x128x64xf32, #tpu.memory_space<vmem>> -> memref<1x1x64x64xf32, #tpu.memory_space<vmem>>
      %dma_start3A_624 = tpu.memref_squeeze %dma_start3A_623 : memref<1x1x64x64xf32, #tpu.memory_space<vmem>> -> memref<64x64xf32, #tpu.memory_space<vmem>>
      tpu.enqueue_dma source(%dma_start3A_624 : memref<64x64xf32, #tpu.memory_space<vmem>>) target(%dma_start3A_620 : memref<64x64xf32, #tpu.memory_space<hbm>>) target_semaphore(%arg8 : memref<!tpu.dma_semaphore, #tpu.memory_space<semaphore_mem>>)
      %dma_start3A_625 = arith.constant 1 : i32
      %dma_start3A_626 = arith.constant 3 : i32
      %dma_start3A_627 = arith.constant 0 : i32
      %dma_start3A_628 = arith.constant 0 : i32
      %dma_start3A_629 = tpu.memref_slice %arg6[%dma_start3A_625, %dma_start3A_626, %dma_start3A_627, %dma_start3A_628] : memref<2x4x128x64xf32, #tpu.memory_space<vmem>> -> memref<1x1x64x64xf32, #tpu.memory_space<vmem>>
      %dma_start3A_630 = tpu.memref_squeeze %dma_start3A_629 : memref<1x1x64x64xf32, #tpu.memory_space<vmem>> -> memref<64x64xf32, #tpu.memory_space<vmem>>
      %dma_start3A_631 = arith.constant 0 : i32
      %dma_start3A_632 = tpu.memref_slice %arg4[%mul3A_540, %dma_start3A_631] : memref<409600x128xf32, #tpu.memory_space<hbm>> -> memref<64x64xf32, #tpu.memory_space<hbm>>
      %dma_start3A_633 = arith.constant 0 : i32
      %dma_start3A_634 = tpu.memref_slice %arg4[%mul3A_540, %dma_start3A_633] : memref<409600x128xf32, #tpu.memory_space<hbm>> -> memref<64x64xf32, #tpu.memory_space<hbm>>
      %dma_start3A_635 = arith.constant 0 : i32
      %dma_start3A_636 = arith.constant 0 : i32
      %dma_start3A_637 = tpu.memref_slice %arg6[%dma_start3A_625, %dma_start3A_626, %dma_start3A_635, %dma_start3A_636] : memref<2x4x128x64xf32, #tpu.memory_space<vmem>> -> memref<1x1x64x64xf32, #tpu.memory_space<vmem>>
      %dma_start3A_638 = tpu.memref_squeeze %dma_start3A_637 : memref<1x1x64x64xf32, #tpu.memory_space<vmem>> -> memref<64x64xf32, #tpu.memory_space<vmem>>
      tpu.enqueue_dma source(%dma_start3A_638 : memref<64x64xf32, #tpu.memory_space<vmem>>) target(%dma_start3A_634 : memref<64x64xf32, #tpu.memory_space<hbm>>) target_semaphore(%arg8 : memref<!tpu.dma_semaphore, #tpu.memory_space<semaphore_mem>>)
      %dma_start3A_639 = arith.constant 1 : i32
      %dma_start3A_640 = arith.constant 3 : i32
      %dma_start3A_641 = arith.constant 64 : i32
      %dma_start3A_642 = arith.constant 0 : i32
      %dma_start3A_643 = tpu.memref_slice %arg6[%dma_start3A_639, %dma_start3A_640, %dma_start3A_641, %dma_start3A_642] : memref<2x4x128x64xf32, #tpu.memory_space<vmem>> -> memref<1x1x64x64xf32, #tpu.memory_space<vmem>>
      %dma_start3A_644 = tpu.memref_squeeze %dma_start3A_643 : memref<1x1x64x64xf32, #tpu.memory_space<vmem>> -> memref<64x64xf32, #tpu.memory_space<vmem>>
      %dma_start3A_645 = arith.constant 64 : i32
      %dma_start3A_646 = tpu.memref_slice %arg4[%mul3A_540, %dma_start3A_645] : memref<409600x128xf32, #tpu.memory_space<hbm>> -> memref<64x64xf32, #tpu.memory_space<hbm>>
      %dma_start3A_647 = arith.constant 64 : i32
      %dma_start3A_648 = tpu.memref_slice %arg4[%mul3A_540, %dma_start3A_647] : memref<409600x128xf32, #tpu.memory_space<hbm>> -> memref<64x64xf32, #tpu.memory_space<hbm>>
      %dma_start3A_649 = arith.constant 64 : i32
      %dma_start3A_650 = arith.constant 0 : i32
      %dma_start3A_651 = tpu.memref_slice %arg6[%dma_start3A_639, %dma_start3A_640, %dma_start3A_649, %dma_start3A_650] : memref<2x4x128x64xf32, #tpu.memory_space<vmem>> -> memref<1x1x64x64xf32, #tpu.memory_space<vmem>>
      %dma_start3A_652 = tpu.memref_squeeze %dma_start3A_651 : memref<1x1x64x64xf32, #tpu.memory_space<vmem>> -> memref<64x64xf32, #tpu.memory_space<vmem>>
      tpu.enqueue_dma source(%dma_start3A_652 : memref<64x64xf32, #tpu.memory_space<vmem>>) target(%dma_start3A_648 : memref<64x64xf32, #tpu.memory_space<hbm>>) target_semaphore(%arg8 : memref<!tpu.dma_semaphore, #tpu.memory_space<semaphore_mem>>)
    }
    %scan3A_58 = arith.constant 25 : i32
    %mul3A_59 = arith.constant 200 : i32
    %mul3A_60 = arith.muli %add3A, %mul3A_59 : i32
    %add3A_61 = arith.constant 196 : i32
    %add3A_62 = arith.addi %mul3A_60, %add3A_61 : i32
    %add3A_63 = arith.constant 0 : i32
    %add3A_64 = arith.addi %add3A_62, %add3A_63 : i32
    %mul3A_65 = arith.constant 64 : i32
    %mul3A_66 = arith.muli %add3A_64, %mul3A_65 : i32
    %mul3A_67 = arith.constant 200 : i32
    %mul3A_68 = arith.muli %add3A, %mul3A_67 : i32
    %add3A_69 = arith.constant 196 : i32
    %add3A_70 = arith.addi %mul3A_68, %add3A_69 : i32
    %add3A_71 = arith.constant 1 : i32
    %add3A_72 = arith.addi %add3A_70, %add3A_71 : i32
    %mul3A_73 = arith.constant 64 : i32
    %mul3A_74 = arith.muli %add3A_72, %mul3A_73 : i32
    %mul3A_75 = arith.constant 200 : i32
    %mul3A_76 = arith.muli %add3A, %mul3A_75 : i32
    %add3A_77 = arith.constant 196 : i32
    %add3A_78 = arith.addi %mul3A_76, %add3A_77 : i32
    %add3A_79 = arith.constant 2 : i32
    %add3A_80 = arith.addi %add3A_78, %add3A_79 : i32
    %mul3A_81 = arith.constant 64 : i32
    %mul3A_82 = arith.muli %add3A_80, %mul3A_81 : i32
    %mul3A_83 = arith.constant 200 : i32
    %mul3A_84 = arith.muli %add3A, %mul3A_83 : i32
    %add3A_85 = arith.constant 196 : i32
    %add3A_86 = arith.addi %mul3A_84, %add3A_85 : i32
    %add3A_87 = arith.constant 3 : i32
    %add3A_88 = arith.addi %add3A_86, %add3A_87 : i32
    %mul3A_89 = arith.constant 64 : i32
    %mul3A_90 = arith.muli %add3A_88, %mul3A_89 : i32
    %dma_wait3A = arith.constant 1 : i32
    %dma_wait3A_91 = arith.constant 0 : i32
    %dma_wait3A_92 = arith.constant 0 : i32
    %dma_wait3A_93 = arith.constant 0 : i32
    %dma_wait3A_94 = tpu.memref_slice %arg6[%dma_wait3A, %dma_wait3A_91, %dma_wait3A_92, %dma_wait3A_93] : memref<2x4x128x64xf32, #tpu.memory_space<vmem>> -> memref<1x1x64x64xf32, #tpu.memory_space<vmem>>
    %dma_wait3A_95 = tpu.memref_squeeze %dma_wait3A_94 : memref<1x1x64x64xf32, #tpu.memory_space<vmem>> -> memref<64x64xf32, #tpu.memory_space<vmem>>
    %dma_wait3A_96 = arith.constant 0 : i32
    %dma_wait3A_97 = tpu.memref_slice %arg4[%mul3A_66, %dma_wait3A_96] : memref<409600x128xf32, #tpu.memory_space<hbm>> -> memref<64x64xf32, #tpu.memory_space<hbm>>
    %dma_wait3A_98 = arith.constant 0 : i32
    %dma_wait3A_99 = tpu.memref_slice %arg4[%mul3A_66, %dma_wait3A_98] : memref<409600x128xf32, #tpu.memory_space<hbm>> -> memref<64x64xf32, #tpu.memory_space<hbm>>
    %dma_wait3A_100 = arith.constant 0 : i32
    %dma_wait3A_101 = arith.constant 0 : i32
    %dma_wait3A_102 = tpu.memref_slice %arg6[%dma_wait3A, %dma_wait3A_91, %dma_wait3A_100, %dma_wait3A_101] : memref<2x4x128x64xf32, #tpu.memory_space<vmem>> -> memref<1x1x64x64xf32, #tpu.memory_space<vmem>>
    %dma_wait3A_103 = tpu.memref_squeeze %dma_wait3A_102 : memref<1x1x64x64xf32, #tpu.memory_space<vmem>> -> memref<64x64xf32, #tpu.memory_space<vmem>>
    tpu.wait_dma2 semaphore(%arg8 : memref<!tpu.dma_semaphore, #tpu.memory_space<semaphore_mem>>) src(%dma_wait3A_103 : memref<64x64xf32, #tpu.memory_space<vmem>>) dst(%dma_wait3A_99 : memref<64x64xf32, #tpu.memory_space<hbm>>)
    %dma_wait3A_104 = arith.constant 1 : i32
    %dma_wait3A_105 = arith.constant 0 : i32
    %dma_wait3A_106 = arith.constant 64 : i32
    %dma_wait3A_107 = arith.constant 0 : i32
    %dma_wait3A_108 = tpu.memref_slice %arg6[%dma_wait3A_104, %dma_wait3A_105, %dma_wait3A_106, %dma_wait3A_107] : memref<2x4x128x64xf32, #tpu.memory_space<vmem>> -> memref<1x1x64x64xf32, #tpu.memory_space<vmem>>
    %dma_wait3A_109 = tpu.memref_squeeze %dma_wait3A_108 : memref<1x1x64x64xf32, #tpu.memory_space<vmem>> -> memref<64x64xf32, #tpu.memory_space<vmem>>
    %dma_wait3A_110 = arith.constant 64 : i32
    %dma_wait3A_111 = tpu.memref_slice %arg4[%mul3A_66, %dma_wait3A_110] : memref<409600x128xf32, #tpu.memory_space<hbm>> -> memref<64x64xf32, #tpu.memory_space<hbm>>
    %dma_wait3A_112 = arith.constant 64 : i32
    %dma_wait3A_113 = tpu.memref_slice %arg4[%mul3A_66, %dma_wait3A_112] : memref<409600x128xf32, #tpu.memory_space<hbm>> -> memref<64x64xf32, #tpu.memory_space<hbm>>
    %dma_wait3A_114 = arith.constant 64 : i32
    %dma_wait3A_115 = arith.constant 0 : i32
    %dma_wait3A_116 = tpu.memref_slice %arg6[%dma_wait3A_104, %dma_wait3A_105, %dma_wait3A_114, %dma_wait3A_115] : memref<2x4x128x64xf32, #tpu.memory_space<vmem>> -> memref<1x1x64x64xf32, #tpu.memory_space<vmem>>
    %dma_wait3A_117 = tpu.memref_squeeze %dma_wait3A_116 : memref<1x1x64x64xf32, #tpu.memory_space<vmem>> -> memref<64x64xf32, #tpu.memory_space<vmem>>
    tpu.wait_dma2 semaphore(%arg8 : memref<!tpu.dma_semaphore, #tpu.memory_space<semaphore_mem>>) src(%dma_wait3A_117 : memref<64x64xf32, #tpu.memory_space<vmem>>) dst(%dma_wait3A_113 : memref<64x64xf32, #tpu.memory_space<hbm>>)
    %dma_wait3A_118 = arith.constant 1 : i32
    %dma_wait3A_119 = arith.constant 1 : i32
    %dma_wait3A_120 = arith.constant 0 : i32
    %dma_wait3A_121 = arith.constant 0 : i32
    %dma_wait3A_122 = tpu.memref_slice %arg6[%dma_wait3A_118, %dma_wait3A_119, %dma_wait3A_120, %dma_wait3A_121] : memref<2x4x128x64xf32, #tpu.memory_space<vmem>> -> memref<1x1x64x64xf32, #tpu.memory_space<vmem>>
    %dma_wait3A_123 = tpu.memref_squeeze %dma_wait3A_122 : memref<1x1x64x64xf32, #tpu.memory_space<vmem>> -> memref<64x64xf32, #tpu.memory_space<vmem>>
    %dma_wait3A_124 = arith.constant 0 : i32
    %dma_wait3A_125 = tpu.memref_slice %arg4[%mul3A_74, %dma_wait3A_124] : memref<409600x128xf32, #tpu.memory_space<hbm>> -> memref<64x64xf32, #tpu.memory_space<hbm>>
    %dma_wait3A_126 = arith.constant 0 : i32
    %dma_wait3A_127 = tpu.memref_slice %arg4[%mul3A_74, %dma_wait3A_126] : memref<409600x128xf32, #tpu.memory_space<hbm>> -> memref<64x64xf32, #tpu.memory_space<hbm>>
    %dma_wait3A_128 = arith.constant 0 : i32
    %dma_wait3A_129 = arith.constant 0 : i32
    %dma_wait3A_130 = tpu.memref_slice %arg6[%dma_wait3A_118, %dma_wait3A_119, %dma_wait3A_128, %dma_wait3A_129] : memref<2x4x128x64xf32, #tpu.memory_space<vmem>> -> memref<1x1x64x64xf32, #tpu.memory_space<vmem>>
    %dma_wait3A_131 = tpu.memref_squeeze %dma_wait3A_130 : memref<1x1x64x64xf32, #tpu.memory_space<vmem>> -> memref<64x64xf32, #tpu.memory_space<vmem>>
    tpu.wait_dma2 semaphore(%arg8 : memref<!tpu.dma_semaphore, #tpu.memory_space<semaphore_mem>>) src(%dma_wait3A_131 : memref<64x64xf32, #tpu.memory_space<vmem>>) dst(%dma_wait3A_127 : memref<64x64xf32, #tpu.memory_space<hbm>>)
    %dma_wait3A_132 = arith.constant 1 : i32
    %dma_wait3A_133 = arith.constant 1 : i32
    %dma_wait3A_134 = arith.constant 64 : i32
    %dma_wait3A_135 = arith.constant 0 : i32
    %dma_wait3A_136 = tpu.memref_slice %arg6[%dma_wait3A_132, %dma_wait3A_133, %dma_wait3A_134, %dma_wait3A_135] : memref<2x4x128x64xf32, #tpu.memory_space<vmem>> -> memref<1x1x64x64xf32, #tpu.memory_space<vmem>>
    %dma_wait3A_137 = tpu.memref_squeeze %dma_wait3A_136 : memref<1x1x64x64xf32, #tpu.memory_space<vmem>> -> memref<64x64xf32, #tpu.memory_space<vmem>>
    %dma_wait3A_138 = arith.constant 64 : i32
    %dma_wait3A_139 = tpu.memref_slice %arg4[%mul3A_74, %dma_wait3A_138] : memref<409600x128xf32, #tpu.memory_space<hbm>> -> memref<64x64xf32, #tpu.memory_space<hbm>>
    %dma_wait3A_140 = arith.constant 64 : i32
    %dma_wait3A_141 = tpu.memref_slice %arg4[%mul3A_74, %dma_wait3A_140] : memref<409600x128xf32, #tpu.memory_space<hbm>> -> memref<64x64xf32, #tpu.memory_space<hbm>>
    %dma_wait3A_142 = arith.constant 64 : i32
    %dma_wait3A_143 = arith.constant 0 : i32
    %dma_wait3A_144 = tpu.memref_slice %arg6[%dma_wait3A_132, %dma_wait3A_133, %dma_wait3A_142, %dma_wait3A_143] : memref<2x4x128x64xf32, #tpu.memory_space<vmem>> -> memref<1x1x64x64xf32, #tpu.memory_space<vmem>>
    %dma_wait3A_145 = tpu.memref_squeeze %dma_wait3A_144 : memref<1x1x64x64xf32, #tpu.memory_space<vmem>> -> memref<64x64xf32, #tpu.memory_space<vmem>>
    tpu.wait_dma2 semaphore(%arg8 : memref<!tpu.dma_semaphore, #tpu.memory_space<semaphore_mem>>) src(%dma_wait3A_145 : memref<64x64xf32, #tpu.memory_space<vmem>>) dst(%dma_wait3A_141 : memref<64x64xf32, #tpu.memory_space<hbm>>)
    %dma_wait3A_146 = arith.constant 1 : i32
    %dma_wait3A_147 = arith.constant 2 : i32
    %dma_wait3A_148 = arith.constant 0 : i32
    %dma_wait3A_149 = arith.constant 0 : i32
    %dma_wait3A_150 = tpu.memref_slice %arg6[%dma_wait3A_146, %dma_wait3A_147, %dma_wait3A_148, %dma_wait3A_149] : memref<2x4x128x64xf32, #tpu.memory_space<vmem>> -> memref<1x1x64x64xf32, #tpu.memory_space<vmem>>
    %dma_wait3A_151 = tpu.memref_squeeze %dma_wait3A_150 : memref<1x1x64x64xf32, #tpu.memory_space<vmem>> -> memref<64x64xf32, #tpu.memory_space<vmem>>
    %dma_wait3A_152 = arith.constant 0 : i32
    %dma_wait3A_153 = tpu.memref_slice %arg4[%mul3A_82, %dma_wait3A_152] : memref<409600x128xf32, #tpu.memory_space<hbm>> -> memref<64x64xf32, #tpu.memory_space<hbm>>
    %dma_wait3A_154 = arith.constant 0 : i32
    %dma_wait3A_155 = tpu.memref_slice %arg4[%mul3A_82, %dma_wait3A_154] : memref<409600x128xf32, #tpu.memory_space<hbm>> -> memref<64x64xf32, #tpu.memory_space<hbm>>
    %dma_wait3A_156 = arith.constant 0 : i32
    %dma_wait3A_157 = arith.constant 0 : i32
    %dma_wait3A_158 = tpu.memref_slice %arg6[%dma_wait3A_146, %dma_wait3A_147, %dma_wait3A_156, %dma_wait3A_157] : memref<2x4x128x64xf32, #tpu.memory_space<vmem>> -> memref<1x1x64x64xf32, #tpu.memory_space<vmem>>
    %dma_wait3A_159 = tpu.memref_squeeze %dma_wait3A_158 : memref<1x1x64x64xf32, #tpu.memory_space<vmem>> -> memref<64x64xf32, #tpu.memory_space<vmem>>
    tpu.wait_dma2 semaphore(%arg8 : memref<!tpu.dma_semaphore, #tpu.memory_space<semaphore_mem>>) src(%dma_wait3A_159 : memref<64x64xf32, #tpu.memory_space<vmem>>) dst(%dma_wait3A_155 : memref<64x64xf32, #tpu.memory_space<hbm>>)
    %dma_wait3A_160 = arith.constant 1 : i32
    %dma_wait3A_161 = arith.constant 2 : i32
    %dma_wait3A_162 = arith.constant 64 : i32
    %dma_wait3A_163 = arith.constant 0 : i32
    %dma_wait3A_164 = tpu.memref_slice %arg6[%dma_wait3A_160, %dma_wait3A_161, %dma_wait3A_162, %dma_wait3A_163] : memref<2x4x128x64xf32, #tpu.memory_space<vmem>> -> memref<1x1x64x64xf32, #tpu.memory_space<vmem>>
    %dma_wait3A_165 = tpu.memref_squeeze %dma_wait3A_164 : memref<1x1x64x64xf32, #tpu.memory_space<vmem>> -> memref<64x64xf32, #tpu.memory_space<vmem>>
    %dma_wait3A_166 = arith.constant 64 : i32
    %dma_wait3A_167 = tpu.memref_slice %arg4[%mul3A_82, %dma_wait3A_166] : memref<409600x128xf32, #tpu.memory_space<hbm>> -> memref<64x64xf32, #tpu.memory_space<hbm>>
    %dma_wait3A_168 = arith.constant 64 : i32
    %dma_wait3A_169 = tpu.memref_slice %arg4[%mul3A_82, %dma_wait3A_168] : memref<409600x128xf32, #tpu.memory_space<hbm>> -> memref<64x64xf32, #tpu.memory_space<hbm>>
    %dma_wait3A_170 = arith.constant 64 : i32
    %dma_wait3A_171 = arith.constant 0 : i32
    %dma_wait3A_172 = tpu.memref_slice %arg6[%dma_wait3A_160, %dma_wait3A_161, %dma_wait3A_170, %dma_wait3A_171] : memref<2x4x128x64xf32, #tpu.memory_space<vmem>> -> memref<1x1x64x64xf32, #tpu.memory_space<vmem>>
    %dma_wait3A_173 = tpu.memref_squeeze %dma_wait3A_172 : memref<1x1x64x64xf32, #tpu.memory_space<vmem>> -> memref<64x64xf32, #tpu.memory_space<vmem>>
    tpu.wait_dma2 semaphore(%arg8 : memref<!tpu.dma_semaphore, #tpu.memory_space<semaphore_mem>>) src(%dma_wait3A_173 : memref<64x64xf32, #tpu.memory_space<vmem>>) dst(%dma_wait3A_169 : memref<64x64xf32, #tpu.memory_space<hbm>>)
    %dma_wait3A_174 = arith.constant 1 : i32
    %dma_wait3A_175 = arith.constant 3 : i32
    %dma_wait3A_176 = arith.constant 0 : i32
    %dma_wait3A_177 = arith.constant 0 : i32
    %dma_wait3A_178 = tpu.memref_slice %arg6[%dma_wait3A_174, %dma_wait3A_175, %dma_wait3A_176, %dma_wait3A_177] : memref<2x4x128x64xf32, #tpu.memory_space<vmem>> -> memref<1x1x64x64xf32, #tpu.memory_space<vmem>>
    %dma_wait3A_179 = tpu.memref_squeeze %dma_wait3A_178 : memref<1x1x64x64xf32, #tpu.memory_space<vmem>> -> memref<64x64xf32, #tpu.memory_space<vmem>>
    %dma_wait3A_180 = arith.constant 0 : i32
    %dma_wait3A_181 = tpu.memref_slice %arg4[%mul3A_90, %dma_wait3A_180] : memref<409600x128xf32, #tpu.memory_space<hbm>> -> memref<64x64xf32, #tpu.memory_space<hbm>>
    %dma_wait3A_182 = arith.constant 0 : i32
    %dma_wait3A_183 = tpu.memref_slice %arg4[%mul3A_90, %dma_wait3A_182] : memref<409600x128xf32, #tpu.memory_space<hbm>> -> memref<64x64xf32, #tpu.memory_space<hbm>>
    %dma_wait3A_184 = arith.constant 0 : i32
    %dma_wait3A_185 = arith.constant 0 : i32
    %dma_wait3A_186 = tpu.memref_slice %arg6[%dma_wait3A_174, %dma_wait3A_175, %dma_wait3A_184, %dma_wait3A_185] : memref<2x4x128x64xf32, #tpu.memory_space<vmem>> -> memref<1x1x64x64xf32, #tpu.memory_space<vmem>>
    %dma_wait3A_187 = tpu.memref_squeeze %dma_wait3A_186 : memref<1x1x64x64xf32, #tpu.memory_space<vmem>> -> memref<64x64xf32, #tpu.memory_space<vmem>>
    tpu.wait_dma2 semaphore(%arg8 : memref<!tpu.dma_semaphore, #tpu.memory_space<semaphore_mem>>) src(%dma_wait3A_187 : memref<64x64xf32, #tpu.memory_space<vmem>>) dst(%dma_wait3A_183 : memref<64x64xf32, #tpu.memory_space<hbm>>)
    %dma_wait3A_188 = arith.constant 1 : i32
    %dma_wait3A_189 = arith.constant 3 : i32
    %dma_wait3A_190 = arith.constant 64 : i32
    %dma_wait3A_191 = arith.constant 0 : i32
    %dma_wait3A_192 = tpu.memref_slice %arg6[%dma_wait3A_188, %dma_wait3A_189, %dma_wait3A_190, %dma_wait3A_191] : memref<2x4x128x64xf32, #tpu.memory_space<vmem>> -> memref<1x1x64x64xf32, #tpu.memory_space<vmem>>
    %dma_wait3A_193 = tpu.memref_squeeze %dma_wait3A_192 : memref<1x1x64x64xf32, #tpu.memory_space<vmem>> -> memref<64x64xf32, #tpu.memory_space<vmem>>
    %dma_wait3A_194 = arith.constant 64 : i32
    %dma_wait3A_195 = tpu.memref_slice %arg4[%mul3A_90, %dma_wait3A_194] : memref<409600x128xf32, #tpu.memory_space<hbm>> -> memref<64x64xf32, #tpu.memory_space<hbm>>
    %dma_wait3A_196 = arith.constant 64 : i32
    %dma_wait3A_197 = tpu.memref_slice %arg4[%mul3A_90, %dma_wait3A_196] : memref<409600x128xf32, #tpu.memory_space<hbm>> -> memref<64x64xf32, #tpu.memory_space<hbm>>
    %dma_wait3A_198 = arith.constant 64 : i32
    %dma_wait3A_199 = arith.constant 0 : i32
    %dma_wait3A_200 = tpu.memref_slice %arg6[%dma_wait3A_188, %dma_wait3A_189, %dma_wait3A_198, %dma_wait3A_199] : memref<2x4x128x64xf32, #tpu.memory_space<vmem>> -> memref<1x1x64x64xf32, #tpu.memory_space<vmem>>
    %dma_wait3A_201 = tpu.memref_squeeze %dma_wait3A_200 : memref<1x1x64x64xf32, #tpu.memory_space<vmem>> -> memref<64x64xf32, #tpu.memory_space<vmem>>
    tpu.wait_dma2 semaphore(%arg8 : memref<!tpu.dma_semaphore, #tpu.memory_space<semaphore_mem>>) src(%dma_wait3A_201 : memref<64x64xf32, #tpu.memory_space<vmem>>) dst(%dma_wait3A_197 : memref<64x64xf32, #tpu.memory_space<hbm>>)
    return
  }
}

module attributes {stable_mosaic.version = 14 : i64} {
  func.func @body(%arg0: i32, %arg1: memref<1x2048x128xf32, #tpu.memory_space<vmem>>, %arg2: memref<64x64xf32, #tpu.memory_space<vmem>>, %arg3: memref<64x64xf32, #tpu.memory_space<vmem>>, %arg4: memref<1x64x4096xf32, #tpu.memory_space<vmem>>, %arg5: memref<1x64x4096xf32, #tpu.memory_space<vmem>>) attributes {dimension_semantics = [#tpu.dimension_semantics<arbitrary>], iteration_bounds = array<i64: 200>, scalar_prefetch = 0 : i64, scratch_operands = 0 : i64, tpu.core_type = #tpu.core_type<tc>, window_params = [{transform_indices = @transform_0, window_bounds = array<i64: 1, 2048, 128>}, {pipeline_mode = #tpu.pipeline_mode<synchronous>, transform_indices = @transform_1, window_bounds = array<i64: 64, 64>}, {pipeline_mode = #tpu.pipeline_mode<synchronous>, transform_indices = @transform_2, window_bounds = array<i64: 64, 64>}, {transform_indices = @transform_3, window_bounds = array<i64: 1, 64, 4096>}, {transform_indices = @transform_4, window_bounds = array<i64: 1, 64, 4096>}]} {
    %get3A = arith.constant 0 : index
    %get3A_0 = arith.constant 0 : index
    %get3A_1 = arith.constant 0 : index
    %get3A_2 = vector.load %arg1[%get3A, %get3A_0, %get3A_1] : memref<1x2048x128xf32, #tpu.memory_space<vmem>>, vector<1x2048x128xf32>
    %get3A_3 = vector.shape_cast %get3A_2 : vector<1x2048x128xf32> to vector<2048x128xf32>
    %slice3A = vector.extract_strided_slice %get3A_3 {offsets = [0, 0], sizes = [2048, 64], strides = [1, 1]} : vector<2048x128xf32> to vector<2048x64xf32>
    %slice3A_4 = vector.extract_strided_slice %get3A_3 {offsets = [0, 64], sizes = [2048, 64], strides = [1, 1]} : vector<2048x128xf32> to vector<2048x64xf32>
    %get3A_5 = arith.constant 0 : index
    %get3A_6 = arith.constant 0 : index
    %get3A_7 = vector.load %arg2[%get3A_5, %get3A_6] : memref<64x64xf32, #tpu.memory_space<vmem>>, vector<64x64xf32>
    %get3A_8 = arith.constant 0 : index
    %get3A_9 = arith.constant 0 : index
    %get3A_10 = vector.load %arg3[%get3A_8, %get3A_9] : memref<64x64xf32, #tpu.memory_space<vmem>>, vector<64x64xf32>
    %dot_general3A = arith.constant dense<0.000000e+00> : vector<64x2048xf32>
    %dot_general3A_11 = tpu.matmul %get3A_7, %slice3A, %dot_general3A {dimension_numbers = #tpu.dot_dimension_numbers<[1], [1], [0], [0], [0, 0, 1, 0], [], []>, transpose_lhs_hint = false} : vector<64x64xf32>, vector<2048x64xf32>, vector<64x2048xf32> -> vector<64x2048xf32>
    %dot_general3A_12 = arith.constant dense<0.000000e+00> : vector<64x2048xf32>
    %dot_general3A_13 = tpu.matmul %get3A_7, %slice3A_4, %dot_general3A_12 {dimension_numbers = #tpu.dot_dimension_numbers<[1], [1], [0], [0], [0, 0, 1, 0], [], []>, transpose_lhs_hint = false} : vector<64x64xf32>, vector<2048x64xf32>, vector<64x2048xf32> -> vector<64x2048xf32>
    %concatenate3A = tpu.concatenate %dot_general3A_11, %dot_general3A_13 in 1 : vector<64x2048xf32>, vector<64x2048xf32> -> vector<64x4096xf32>
    %swap3A = arith.constant 0 : index
    %swap3A_14 = arith.constant 0 : index
    %swap3A_15 = arith.constant 0 : index
    %swap3A_16 = vector.load %arg4[%swap3A, %swap3A_14, %swap3A_15] : memref<1x64x4096xf32, #tpu.memory_space<vmem>>, vector<1x64x4096xf32>
    %swap3A_17 = vector.shape_cast %swap3A_16 : vector<1x64x4096xf32> to vector<64x4096xf32>
    %swap3A_18 = vector.shape_cast %concatenate3A : vector<64x4096xf32> to vector<1x64x4096xf32>
    tpu.vector_store %arg4[%swap3A, %swap3A_14, %swap3A_15], %swap3A_18 {strides = array<i32>} : memref<1x64x4096xf32, #tpu.memory_space<vmem>>, vector<1x64x4096xf32>,
    %dot_general3A_19 = arith.constant dense<0.000000e+00> : vector<64x2048xf32>
    %dot_general3A_20 = tpu.matmul %get3A_10, %slice3A, %dot_general3A_19 {dimension_numbers = #tpu.dot_dimension_numbers<[1], [1], [0], [0], [0, 0, 1, 0], [], []>, transpose_lhs_hint = false} : vector<64x64xf32>, vector<2048x64xf32>, vector<64x2048xf32> -> vector<64x2048xf32>
    %dot_general3A_21 = arith.constant dense<0.000000e+00> : vector<64x2048xf32>
    %dot_general3A_22 = tpu.matmul %get3A_10, %slice3A_4, %dot_general3A_21 {dimension_numbers = #tpu.dot_dimension_numbers<[1], [1], [0], [0], [0, 0, 1, 0], [], []>, transpose_lhs_hint = false} : vector<64x64xf32>, vector<2048x64xf32>, vector<64x2048xf32> -> vector<64x2048xf32>
    %concatenate3A_23 = tpu.concatenate %dot_general3A_20, %dot_general3A_22 in 1 : vector<64x2048xf32>, vector<64x2048xf32> -> vector<64x4096xf32>
    %swap3A_24 = arith.constant 0 : index
    %swap3A_25 = arith.constant 0 : index
    %swap3A_26 = arith.constant 0 : index
    %swap3A_27 = vector.load %arg5[%swap3A_24, %swap3A_25, %swap3A_26] : memref<1x64x4096xf32, #tpu.memory_space<vmem>>, vector<1x64x4096xf32>
    %swap3A_28 = vector.shape_cast %swap3A_27 : vector<1x64x4096xf32> to vector<64x4096xf32>
    %swap3A_29 = vector.shape_cast %concatenate3A_23 : vector<64x4096xf32> to vector<1x64x4096xf32>
    tpu.vector_store %arg5[%swap3A_24, %swap3A_25, %swap3A_26], %swap3A_29 {strides = array<i32>} : memref<1x64x4096xf32, #tpu.memory_space<vmem>>, vector<1x64x4096xf32>,
    return
  }
  func.func @transform_0(%arg0: i32) -> (i32, i32, i32) {
    %c0_i32 = arith.constant 0 : i32
    %c0_i32_0 = arith.constant 0 : i32
    %c0_i32_1 = arith.constant 0 : i32
    return %arg0, %c0_i32, %c0_i32_0 : i32, i32, i32
  }
  func.func @transform_1(%arg0: i32) -> (i32, i32) {
    %c0_i32 = arith.constant 0 : i32
    %c0_i32_0 = arith.constant 0 : i32
    %c0_i32_1 = arith.constant 0 : i32
    return %c0_i32, %c0_i32_0 : i32, i32
  }
  func.func @transform_2(%arg0: i32) -> (i32, i32) {
    %c0_i32 = arith.constant 0 : i32
    %c0_i32_0 = arith.constant 0 : i32
    %c0_i32_1 = arith.constant 0 : i32
    return %c0_i32, %c0_i32_0 : i32, i32
  }
  func.func @transform_3(%arg0: i32) -> (i32, i32, i32) {
    %c0_i32 = arith.constant 0 : i32
    %c0_i32_0 = arith.constant 0 : i32
    %c0_i32_1 = arith.constant 0 : i32
    return %arg0, %c0_i32, %c0_i32_0 : i32, i32, i32
  }
  func.func @transform_4(%arg0: i32) -> (i32, i32, i32) {
    %c0_i32 = arith.constant 0 : i32
    %c0_i32_0 = arith.constant 0 : i32
    %c0_i32_1 = arith.constant 0 : i32
    return %arg0, %c0_i32, %c0_i32_0 : i32, i32, i32
  }
}

</mosaic_0001>

<sc_bundles>
// kernel: kernel.4.cloned.1.call-start
scs
__scs_entry_jumppad:
0x0: {  	(pc) =	sbr.rel $0x88, $3  }
0x1: {  	(tag) =	ssettag $0x0;
	lr =	simm.s32 $0x1  }
0x2: {  	[smem:$0x3F9F] =	sst lr;
	_ =	strace $0xD0000000  }
0x3: {  	_ = 	snop  }
0x4: {  	_ = 	snop  }
0x5: {  	_ = 	snop  }
0x6: {  	_ = 	snop  }
0x7: {  	_ = 	snop  }
__scs_overlays_trampoline_lowered:
0x8: {  	[smem:$0x3FAE] =	sst s0  }
0x9: {  	[smem:$0x3FAF] =	sst s1  }
0xa: {  	[smem:$0x3FB0] =	sst s2  }
0xb: {  	[smem:$0x3FB1] =	sst s3  }
0xc: {  	[smem:$0x3FB2] =	sst s4  }
0xd: {  	[smem:$0x3FB3] =	sst s5  }
0xe: {  	[smem:$0x3FB4] =	sst s6  }
0xf: {  	[smem:$0x3FB5] =	sst s7  }
0x10: {  	[smem:$0x3FB6] =	sst s8  }
0x11: {  	[smem:$0x3FB7] =	sst s9;
	s0 =	simm.s32 @!p0 $0x0  }
0x12: {  	s1 =	sld [smem:$0x3F9D];
	s0 =	simm.s32 @p0 $0x1  }
0x13: {  	[smem:$0x3FB8] =	sst s0;
	s0 =	simm.s32 @!p1 $0x0  }
0x14: {  	s2 =	sld [smem:$0x3F9C];
	s0 =	simm.s32 @p1 $0x1  }
0x15: {  	[smem:$0x3FB9] =	sst s0;
	s0 =	simm.s32 @!p2 $0x0  }
0x16: {  	s3 =	sld [smem:$0x3FDB];
	s0 =	simm.s32 @p2 $0x1  }
0x17: {  	s4 =	simm.s32 $0x1BF5;
	[smem:$0x3FBB] =	sst s0  }
0x18: {  	s0 =	sld [smem:$0x3F9E];
	_ =	swait.ge [sflag:s4], $0x0  }
0x19: {  	s7 =	sld [smem:$0x3F9F]  }
0x1a: {  	s8 =	sadd.s32 $0xFFFFE003, lr  }
0x1b: {  	s9 =	sadd.s32 $0xFFFFFEF7, lr;
	s5 =	simm.s32 $0xFFFFFFFF;
	p2 =	slt.u32 s8, $0xFFFFF086  }
0x1c: {  	p1 =	slt.u32 s9, $0xF7A;
	s5 =	simm.s32 @!p2 $0x0  }
0x1d: {  	s5 =	simm.s32 @p1 $0x1;
	p0 =	seq.s32 s7, s2  }
0x1e: {  	s7 =	smul.u32 @!p0 $0xF7A, s2;
	p2 =	seq.s32 @!p0 s5, $0x0  }
0x1f: {  	s9 =	smul.u32 $0xF7A, s1;
	s8 =	simm.s32 @!p0 $0x1BF5;
	p2 =	por !p2, p0  }
0x20: {  	[sflag:s8] =	ssyncset.s32 @!p0 $0xFFFFF086;
	s6 =	sadd.s32 @!p0 s3, s7;
	s7 =	simm.s32 @!p0 $0x108  }
0x21: {  	s3 =	sadd.s32 s3, s9;
	s6 =	sadd.s32 @!p0 $0x88, s6;
	s7 =	simm.s32 @p2 $0x1082  }
0x22: {  	[simem:s7], [sflag:s8] =	dma.local @!p0 [hbm:s6], $0xF7A  }
0x23: {  	s9 =	sor.u32 $0xD0000000, s2;
	s6 =	simm.s32 $0x108;
	_ =	swait.ge @!p0 [sflag:s8], $0x0  }
0x24: {  	s3 =	sadd.s32 $0x88, s3;
	s6 =	simm.s32 @!p1 $0x1082;
	[sflag:s4] =	ssyncset.s32 $0xFFFFF086  }
0x25: {  	[simem:s6], [sflag:s4] =	dma.local [hbm:s3], $0xF7A  }
0x26: {  	[smem:$0x3F9F] =	sst s1;
	(tag) =	ssettag s2;
	_ =	strace s9  }
0x27: {  	s1 =	sld [smem:$0x3FAF]  }
0x28: {  	s2 =	sld [smem:$0x3FB0]  }
0x29: {  	s4 =	sld [smem:$0x3FB2]  }
0x2a: {  	p0 =	seq.s32 s5, $0x0;
	s5 =	sld [smem:$0x3FB3]  }
0x2b: {  	s6 =	sld [smem:$0x3FB4]  }
0x2c: {  	s7 =	sld [smem:$0x3FB5]  }
0x2d: {  	s3 =	simm.s32 $0x108;
	s8 =	sld [smem:$0x3FB6]  }
0x2e: {  	s3 =	simm.s32 @!p0 $0x1082;
	s9 =	sld [smem:$0x3FB7]  }
0x2f: {  	lr =	sadd.s32 s0, s3;
	s0 =	sld [smem:$0x3FAE]  }
0x30: {  	s3 =	sld [smem:$0x3FB1]  }
0x31: {  	[smem:$0x3FBA] =	sst s10  }
0x32: {  	s10 =	sld [smem:$0x3FB8];
	_ =	sdelay $0x3  }
0x33: {  	p0 =	seq.s32 s10, $0x1;
	s10 =	sld [smem:$0x3FBA];
	_ =	sdelay $0x3  }
0x34: {  	[smem:$0x3FBA] =	sst s10  }
0x35: {  	s10 =	sld [smem:$0x3FB9];
	_ =	sdelay $0x3  }
0x36: {  	p1 =	seq.s32 s10, $0x1;
	s10 =	sld [smem:$0x3FBA];
	_ =	sdelay $0x3  }
0x37: {  	[smem:$0x3FBA] =	sst s10  }
0x38: {  	s10 =	sld [smem:$0x3FBB]  }
0x39: {  	_ = 	snop;
	(pc) =	sbr.ind lr, $3  }
0x3a: {  	_ = 	snop  }
0x3b: {  	_ = 	snop  }
0x3c: {  	p2 =	seq.s32 s10, $0x1;
	s10 =	sld [smem:$0x3FBA]  }
0x3d: {  	_ =	shalt  }
0x3e: {  	_ =	shalt  }
0x3f: {  	_ =	shalt  }
0x40: {  	_ =	shalt  }
0x41: {  	_ =	shalt  }
0x42: {  	_ =	shalt  }
0x43: {  	_ =	shalt  }
0x44: {  	_ =	shalt  }
0x45: {  	_ =	shalt  }
0x46: {  	_ =	shalt  }
0x47: {  	_ =	shalt  }
0x48: {  	_ =	shalt  }
0x49: {  	_ =	shalt  }
0x4a: {  	_ =	shalt  }
0x4b: {  	_ =	shalt  }
0x4c: {  	_ =	shalt  }
0x4d: {  	_ =	shalt  }
0x4e: {  	_ =	shalt  }
0x4f: {  	_ =	shalt  }
0x50: {  	_ =	shalt  }
0x51: {  	_ =	shalt  }
0x52: {  	_ =	shalt  }
0x53: {  	_ =	shalt  }
0x54: {  	_ =	shalt  }
0x55: {  	_ =	shalt  }
0x56: {  	_ =	shalt  }
0x57: {  	_ =	shalt  }
0x58: {  	_ =	shalt  }
0x59: {  	_ =	shalt  }
0x5a: {  	_ =	shalt  }
0x5b: {  	_ =	shalt  }
0x5c: {  	_ =	shalt  }
0x5d: {  	_ =	shalt  }
0x5e: {  	_ =	shalt  }
0x5f: {  	_ =	shalt  }
0x60: {  	_ =	shalt  }
0x61: {  	_ =	shalt  }
0x62: {  	_ =	shalt  }
0x63: {  	_ =	shalt  }
0x64: {  	_ =	shalt  }
0x65: {  	_ =	shalt  }
0x66: {  	_ =	shalt  }
0x67: {  	_ =	shalt  }
0x68: {  	_ =	shalt  }
0x69: {  	_ =	shalt  }
0x6a: {  	_ =	shalt  }
0x6b: {  	_ =	shalt  }
0x6c: {  	_ =	shalt  }
0x6d: {  	_ =	shalt  }
0x6e: {  	_ =	shalt  }
0x6f: {  	_ =	shalt  }
0x70: {  	_ =	shalt  }
0x71: {  	_ =	shalt  }
0x72: {  	_ =	shalt  }
0x73: {  	_ =	shalt  }
0x74: {  	_ =	shalt  }
0x75: {  	_ =	shalt  }
0x76: {  	_ =	shalt  }
0x77: {  	_ =	shalt  }
0x78: {  	_ =	shalt  }
0x79: {  	_ =	shalt  }
0x7a: {  	_ =	shalt  }
0x7b: {  	_ =	shalt  }
0x7c: {  	_ =	shalt  }
0x7d: {  	_ =	shalt  }
0x7e: {  	_ =	shalt  }
0x7f: {  	_ =	shalt  }
0x80: {  	_ =	shalt  }
0x81: {  	_ =	shalt  }
0x82: {  	_ =	shalt  }
0x83: {  	_ =	shalt  }
0x84: {  	_ =	shalt  }
0x85: {  	_ =	shalt  }
0x86: {  	_ =	shalt  }
0x87: {  	_ =	shalt  }
.Lfunc_end0:
.L_simem_size_0:
called_computation_lowered:
.L_overlay_start_0:
0x88: {  	s2 =	sld [smem:$0x3FD9]  }
0x89: {  	s3 =	sld [smem:$0x3FFE];
	_ =	sdelay $0x1  }
0x8a: {  	s1 =	srdreg.scid  }
0x8b: {  	s0 =	sand.u32 $0x1, s1  }
0x8c: {  	s17 =	sshll.u32 s0, $0xA;
	s2 =	sadd.s32 s3, s2  }
0x8d: {  	s2 =	sadd.s32 s2, s17  }
0x8e: {  	[smem:$0x3FC6] =	sst s2  }
0x8f: {  	_ = 	snop  }
0x90: {  	s2 =	sld [smem:$0x3FD0];
	(tm) =	ssettm $0x1  }
0x91: {  	s18 =	sld [smem:$0x3FFB];
	_ =	sdelay $0x3  }
0x92: {  	_ =	strace s18  }
0x93: {  	s3 =	sld [smem:$0x3FFC];
	_ =	sdelay $0x3  }
0x94: {  	_ =	strace s3  }
0x95: {  	s3 =	sld [smem:$0x3FFD];
	_ =	sdelay $0x3  }
0x96: {  	_ =	strace s3  }
0x97: {  	_ =	strace $0x8FFFFFFF  }
0x98: {  	s19 =	sld [smem:$0x3FDB];
	_ =	sdelay $0x1  }
0x99: {  	s4 =	simm.s32 $_scs_section_size  }
0x9a: {  	s5 =	simm.s32 $_size__tile_overlayer_lowered;
	s6 =	simm.s32 $_tile_overlayer_lowered  }
0x9b: {  	s22 =	simm.s32 $0x1BFF;
	s21 =	sshll.u32 s6, $0x1;
	s3 =	sadd.s32 s4, s19  }
0x9c: {  	s7 =	simm.s32 $0x0;
	s20 =	sshll.u32 s5, $0x1;
	s5 =	sadd.s32 s21, s3  }
0x9d: {  	[timem:s7], [sflag:s22] =	dma.local [hbm:s5], s20  }
0x9e: {  	_ =	swait.ge [sflag:s22], s20  }
0x9f: {  	s4 =	ssub.s32 $0x0, s20;
	[sflag:s22] =	ssyncset.done $0x0  }
0xa0: {  	[sflag:s22] =	ssyncadd.s32 s4;
	_ =	sdelay $0x1  }
0xa1: {  	s23 =	simm.s32 $0x1B8B  }
0xa2: {  	_ =	swait.ge [sflag:s23], $0x1  }
0xa3: {  	[sflag:s23] =	ssyncset.done $0x0  }
0xa4: {  	s25 =	simm.s32 $0x1B8E;
	s24 =	sld [smem:$0x3FFE];
	[sflag:s23] =	ssyncadd.s32 $0xFFFFFFFF  }
0xa5: {  	s26 =	simm.s32 $execute0_lowered;
	[smem:$0x3FD2] =	sst s25  }
0xa6: {  	s5 =	sshll.u32 s26, $0x1;
	_ =	strace $0x80000046;
	[dreg:$0x1] =	wrdreg $0xFFFFFFFF  }
0xa7: {  	s28 =	simm.s32 $_size_execute0_lowered;
	s3 =	sadd.s32 s3, s5;
	[dreg:$0x0] =	wrdreg $0x0  }
0xa8: {  	s5 =	sshll.u32 s28, $0x1;
	[dreg:$0x2] =	wrdreg s3  }
0xa9: {  	[dreg:$0x3] =	wrdreg s5  }
0xaa: {  	[dreg:$0x4] =	wrdreg $0xC0  }
0xab: {  	_ =	task [dreg:s7], $0x5FFFF  }
0xac: {  	[dreg:$0x1] =	wrdreg $0xFFFFFFFF  }
0xad: {  	[dreg:$0x0] =	wrdreg $0x60  }
0xae: {  	[dreg:$0x2] =	wrdreg s2  }
0xaf: {  	[dreg:$0x3] =	wrdreg s24  }
0xb0: {  	[dreg:$0x4] =	wrdreg $0x9  }
0xb1: {  	_ =	task.clear_ibuf [dreg:s7], $0x5FFFF;
	_ =	strace $0x90000046  }
0xb2: {  	s29 =	simm.s32 $0x9;
	_ =	strace $0x80000048  }
0xb3: {  	_ =	swait.ge [sflag:s29], $0x1  }
0xb4: {  	[sflag:s29] =	ssyncadd.s32 $0xFFFFFFFF  }
0xb5: {  	_ =	strace $0x90000048  }
0xb6: {  	_ =	sfence  }
0xb7: {  	s30 =	sld [smem:$0x0];
	_ =	sdelay $0x2  }
0xb8: {  	s31 =	sshll.u32 s1, $0xD;
	s1 =	sshrl.u32 s1, $0x2  }
0xb9: {  	s3 =	sand.u32 $0x4000, s31;
	s1 =	sadd.s32 s1, s30  }
0xba: {  	s0 =	sor.u32 s3, s0;
	s1 =	sshll.u32 s1, $0x11  }
0xbb: {  	s0 =	sor.u32 s1, s0  }
0xbc: {  	s0 =	sadd.s32 $0x8F2B, s0  }
0xbd: {  	[sflag:s0] =	ssyncadd.remote.s32 $0x1  }
0xbe: {  	_ =	sfence.sel $0xFFFF  }
0xbf: {  	[dreg:$0x0] =	wrdreg $0xFFFFFFFF;
	(pc) =	sbr.abs _section_cstart, $3  }
0xc0: {  	[dreg:$0x1] =	wrdreg $0xFFFFFFFF  }
0xc1: {  	_ =	task.clear_ibuf [dreg:s7], $0x2FFFF;
	_ =	strace $0x9FFFFFFF  }
0xc2: {  	(tm) =	ssettm $0x7FFFFFFF  }
0xc3: {  	_ =	shalt  }
tec
execute0_lowered:
.L_overlay_start_1:
0x0: {  	(tag) =	ssettag $0x1  }
0x1: {  	s1 =	srdreg.scid;
	s2 =	rddreg [dreg:$0x0]  }
0x2: {  	s0 =	stileid.u32;
	s5 =	rddreg [dreg:$0x1];
	s3 =	simm.s32 $0x0  }
0x3: {  	s10 =	simm.s32 $0x100;
	s11 =	simm.s32 $0xA400;
	s12 =	simm.s32 $0x180  }
0x4: {  	s14 =	simm.s32 $0x7400;
	s13 =	simm.s32 $0xC400;
	s15 =	simm.s32 $0x9400  }
0x5: {  	s16 =	simm.s32 $0xB400;
	s4 =	sand.u32 $0x1, s1;
	s29 =	sshll.u32 s0, $0x1  }
0x6: {  	s17 =	simm.s32 $0xD400;
	[smem:$0x7FF] =	sst s3;
	s1 =	sor.u32 s4, s29  }
0x7: {  	s18 =	simm.s32 $0xF400;
	s6 =	smul.u32 $0xC80, s1;
	s1 =	rddreg [dreg:$0x2]  }
0x8: {  	s19 =	simm.s32 $0x11400;
	_ =	strace $0x80000047;
	[dreg:$0x4] =	wrdreg s14  }
0x9: {  	s20 =	simm.s32 $0x13400;
	s7 =	smul.u32 $0x64000, s0;
	[dreg:$0x5] =	wrdreg s15  }
0xa: {  	s21 =	simm.s32 $0x15400;
	s8 =	ssub.s32 $0x2, s4;
	[dreg:$0x6] =	wrdreg s16  }
0xb: {  	s4 =	smul.u32 $0x32000, s4;
	s7 =	sadd.s32 s7, s5;
	[dreg:$0x7] =	wrdreg s17  }
0xc: {  	s9 =	sshrl.u32 s8, $0x1;
	s14 =	simm.s32 $0x1;
	[dreg:$0x8] =	wrdreg s18  }
0xd: {  	s15 =	simm.s32 $0xE400;
	s16 =	simm.s32 $0x10400;
	[dreg:$0x9] =	wrdreg s19  }
0xe: {  	s17 =	simm.s32 $0x12400;
	s18 =	simm.s32 $0x14400;
	[dreg:$0xa] =	wrdreg s20  }
0xf: {  	s19 =	simm.s32 $0x40;
	s20 =	simm.s32 $0x2;
	[dreg:$0xb] =	wrdreg s21  }
0x10: {  	s21 =	simm.s32 $0x0;
	s30 =	ssub.s32 s8, s9;
	s7 =	sadd.s32 s4, s7  }
0x11: {  	s8 =	simm.s32 $0x6400;
	s9 =	simm.s32 $0x8400;
	s5 =	sadd.s32 s6, s5  }
0x12: {  	s31 =	sadd.s32 $0x19A00, s7;
	s6 =	simm.s32 $0x3;
	s7 =	simm.s32 $0x80  }
0x13: {  	s4 =	sadd.s32 $0xA00, s5;
	s5 =	smax.u32 s30, $0x1;
	[dreg:$0x3] =	wrdreg s31  }
.LBB2_1:
0x14: {  	[tilespmem:s3], [sflag:$0x3] =	stream.linear.gather [hbm4b:s4+s3], $0x6400, $0x38;
	[tilespmem:$0x16400] =	vst v63  }
0x15: {  	_ =	swait.ge [sflag:s6], $0x6400  }
0x16: {  	[sflag:s6] =	ssyncset.done $0x0  }
0x17: {  	[sflag:s6] =	ssyncadd.s32 $0xFFFF9C00  }
0x18: {  	[tilespmem:s8], [sflag:$0x1] =	stream.indirect.gather [hbm4b:s2+s7], $0x40, s3, s7, $0xb8;
	[tilespmem:$0x16400] =	vst v63  }
0x19: {  	_ = 	snop  }
0x1a: {  	[tilespmem:s9], [sflag:$0x1] =	stream.indirect.gather [hbm4b:s2+s7], $0x40, s7, s7, $0xb8;
	[tilespmem:$0x16400] =	vst v63  }
0x1b: {  	_ = 	snop  }
0x1c: {  	[tilespmem:s11], [sflag:$0x1] =	stream.indirect.gather [hbm4b:s2+s7], $0x40, s10, s7, $0xb8;
	[tilespmem:$0x16400] =	vst v63  }
0x1d: {  	_ = 	snop  }
0x1e: {  	[tilespmem:s13], [sflag:$0x1] =	stream.indirect.gather [hbm4b:s2+s7], $0x40, s12, s7, $0xb8;
	[tilespmem:$0x16400] =	vst v63  }
0x1f: {  	_ =	swait.ge [sflag:s14], $0x2000  }
0x20: {  	[sflag:s14] =	ssyncset.done $0x0  }
0x21: {  	[sflag:s14] =	ssyncadd.s32 $0xFFFFE000  }
0x22: {  	_ =	swait.ge [sflag:s14], $0x2000  }
0x23: {  	[sflag:s14] =	ssyncset.done $0x0  }
0x24: {  	[sflag:s14] =	ssyncadd.s32 $0xFFFFE000  }
0x25: {  	_ =	swait.ge [sflag:s14], $0x2000  }
0x26: {  	[sflag:s14] =	ssyncset.done $0x0  }
0x27: {  	[sflag:s14] =	ssyncadd.s32 $0xFFFFE000  }
0x28: {  	_ =	swait.ge [sflag:s14], $0x2000  }
0x29: {  	p0 =	por $0x1, $0x1;
	[sflag:s14] =	ssyncset.done $0x0  }
0x2a: {  	s22 =	simm.s32 @!p0 $0x2;
	[sflag:s14] =	ssyncadd.s32 $0xFFFFE000  }
0x2b: {  	_ =	swait.ge @!p0 [sflag:s22], $0x1000  }
0x2c: {  	[sflag:s22] =	ssyncset.done @!p0 $0x0  }
0x2d: {  	[sflag:s22] =	ssyncadd.s32 @!p0 $0xFFFFF000  }
0x2e: {  	_ =	swait.ge @!p0 [sflag:s22], $0x1000  }
0x2f: {  	[sflag:s22] =	ssyncset.done @!p0 $0x0  }
0x30: {  	[sflag:s22] =	ssyncadd.s32 @!p0 $0xFFFFF000  }
0x31: {  	_ =	swait.ge @!p0 [sflag:s22], $0x1000  }
0x32: {  	[sflag:s22] =	ssyncset.done @!p0 $0x0  }
0x33: {  	[sflag:s22] =	ssyncadd.s32 @!p0 $0xFFFFF000  }
0x34: {  	_ =	swait.ge @!p0 [sflag:s22], $0x1000  }
0x35: {  	[sflag:s22] =	ssyncset.done @!p0 $0x0  }
0x36: {  	[sflag:s22] =	ssyncadd.s32 @!p0 $0xFFFFF000  }
0x37: {  	_ =	swait.ge @!p0 [sflag:s22], $0x1000  }
0x38: {  	[sflag:s22] =	ssyncset.done @!p0 $0x0  }
0x39: {  	[sflag:s22] =	ssyncadd.s32 @!p0 $0xFFFFF000  }
0x3a: {  	_ =	swait.ge @!p0 [sflag:s22], $0x1000  }
0x3b: {  	[sflag:s22] =	ssyncset.done @!p0 $0x0  }
0x3c: {  	[sflag:s22] =	ssyncadd.s32 @!p0 $0xFFFFF000  }
0x3d: {  	_ =	swait.ge @!p0 [sflag:s22], $0x1000  }
0x3e: {  	[sflag:s22] =	ssyncset.done @!p0 $0x0  }
0x3f: {  	[sflag:s22] =	ssyncadd.s32 @!p0 $0xFFFFF000  }
0x40: {  	_ =	swait.ge @!p0 [sflag:s22], $0x1000  }
0x41: {  	[sflag:s22] =	ssyncset.done @!p0 $0x0  }
0x42: {  	s24 =	simm.s32 $0x200;
	[sflag:s22] =	ssyncadd.s32 @!p0 $0xFFFFF000  }
0x43: {  	[tilespmem:s15], [sflag:$0x1] =	stream.indirect.gather [hbm4b:s2+s7], $0x40, s24, s7, $0xb8;
	[tilespmem:$0x16400] =	vst v63  }
0x44: {  	s25 =	simm.s32 $0x280  }
0x45: {  	[tilespmem:s16], [sflag:$0x1] =	stream.indirect.gather [hbm4b:s2+s7], $0x40, s25, s7, $0xb8;
	[tilespmem:$0x16400] =	vst v63  }
0x46: {  	s26 =	simm.s32 $0x300  }
0x47: {  	[tilespmem:s17], [sflag:$0x1] =	stream.indirect.gather [hbm4b:s2+s7], $0x40, s26, s7, $0xb8;
	[tilespmem:$0x16400] =	vst v63  }
0x48: {  	s28 =	simm.s32 $0x380;
	s23 =	rddreg [dreg:$0x3]  }
0x49: {  	[tilespmem:s18], [sflag:$0x1] =	stream.indirect.gather [hbm4b:s2+s7], $0x40, s28, s7, $0xb8;
	[tilespmem:$0x16400] =	vst v63  }
0x4a: {  	s24 =	sadd.s32 $0x0, s23  }
0x4b: {  	[hbm4b:s24+s19] =	stream.strided.scatter [tilespmem:s8], [sflag:$0x2], $0x1000, s7, s19, $0x38;
	[tilespmem:$0x16400] =	vst v63  }
0x4c: {  	s29 =	rddreg [dreg:$0x4];
	s23 =	sadd.s32 $0x8, s24  }
0x4d: {  	[hbm4b:s23+s19] =	stream.strided.scatter [tilespmem:s29], [sflag:$0x2], $0x1000, s7, s19, $0x38;
	[tilespmem:$0x16400] =	vst v63  }
0x4e: {  	s30 =	sadd.s32 $0x400, s24  }
0x4f: {  	[hbm4b:s30+s19] =	stream.strided.scatter [tilespmem:s9], [sflag:$0x2], $0x1000, s7, s19, $0x38;
	[tilespmem:$0x16400] =	vst v63  }
0x50: {  	s31 =	rddreg [dreg:$0x5];
	s25 =	sadd.s32 $0x408, s24  }
0x51: {  	[hbm4b:s25+s19] =	stream.strided.scatter [tilespmem:s31], [sflag:$0x2], $0x1000, s7, s19, $0x38;
	[tilespmem:$0x16400] =	vst v63  }
0x52: {  	s26 =	sadd.s32 $0x800, s24  }
0x53: {  	[hbm4b:s26+s19] =	stream.strided.scatter [tilespmem:s11], [sflag:$0x2], $0x1000, s7, s19, $0x38;
	[tilespmem:$0x16400] =	vst v63  }
0x54: {  	s28 =	rddreg [dreg:$0x6];
	s29 =	sadd.s32 $0x808, s24  }
0x55: {  	[hbm4b:s29+s19] =	stream.strided.scatter [tilespmem:s28], [sflag:$0x2], $0x1000, s7, s19, $0x38;
	[tilespmem:$0x16400] =	vst v63  }
0x56: {  	s30 =	sadd.s32 $0xC00, s24  }
0x57: {  	[hbm4b:s30+s19] =	stream.strided.scatter [tilespmem:s13], [sflag:$0x2], $0x1000, s7, s19, $0x38;
	[tilespmem:$0x16400] =	vst v63  }
0x58: {  	s31 =	rddreg [dreg:$0x7];
	s25 =	sadd.s32 $0xC08, s24  }
0x59: {  	[hbm4b:s25+s19] =	stream.strided.scatter [tilespmem:s31], [sflag:$0x2], $0x1000, s7, s19, $0x38;
	[tilespmem:$0x16400] =	vst v63  }
0x5a: {  	_ =	swait.ge [sflag:s14], $0x2000  }
0x5b: {  	[sflag:s14] =	ssyncset.done $0x0  }
0x5c: {  	[sflag:s14] =	ssyncadd.s32 $0xFFFFE000  }
0x5d: {  	_ =	swait.ge [sflag:s14], $0x2000  }
0x5e: {  	[sflag:s14] =	ssyncset.done $0x0  }
0x5f: {  	[sflag:s14] =	ssyncadd.s32 $0xFFFFE000  }
0x60: {  	_ =	swait.ge [sflag:s14], $0x2000  }
0x61: {  	[sflag:s14] =	ssyncset.done $0x0  }
0x62: {  	[sflag:s14] =	ssyncadd.s32 $0xFFFFE000  }
0x63: {  	_ =	swait.ge [sflag:s14], $0x2000  }
0x64: {  	[sflag:s14] =	ssyncset.done $0x0  }
0x65: {  	[sflag:s14] =	ssyncadd.s32 $0xFFFFE000  }
0x66: {  	_ =	swait.ge [sflag:s20], $0x1000  }
0x67: {  	[sflag:s20] =	ssyncset.done $0x0  }
0x68: {  	[sflag:s20] =	ssyncadd.s32 $0xFFFFF000  }
0x69: {  	_ =	swait.ge [sflag:s20], $0x1000  }
0x6a: {  	[sflag:s20] =	ssyncset.done $0x0  }
0x6b: {  	[sflag:s20] =	ssyncadd.s32 $0xFFFFF000  }
0x6c: {  	_ =	swait.ge [sflag:s20], $0x1000  }
0x6d: {  	[sflag:s20] =	ssyncset.done $0x0  }
0x6e: {  	[sflag:s20] =	ssyncadd.s32 $0xFFFFF000  }
0x6f: {  	_ =	swait.ge [sflag:s20], $0x1000  }
0x70: {  	[sflag:s20] =	ssyncset.done $0x0  }
0x71: {  	[sflag:s20] =	ssyncadd.s32 $0xFFFFF000  }
0x72: {  	_ =	swait.ge [sflag:s20], $0x1000  }
0x73: {  	[sflag:s20] =	ssyncset.done $0x0  }
0x74: {  	[sflag:s20] =	ssyncadd.s32 $0xFFFFF000  }
0x75: {  	_ =	swait.ge [sflag:s20], $0x1000  }
0x76: {  	[sflag:s20] =	ssyncset.done $0x0  }
0x77: {  	[sflag:s20] =	ssyncadd.s32 $0xFFFFF000  }
0x78: {  	_ =	swait.ge [sflag:s20], $0x1000  }
0x79: {  	[sflag:s20] =	ssyncset.done $0x0  }
0x7a: {  	[sflag:s20] =	ssyncadd.s32 $0xFFFFF000  }
0x7b: {  	p0 =	por $0x0, $0x0;
	_ =	swait.ge [sflag:s20], $0x1000  }
0x7c: {  	s22 =	simm.s32 @!p0 $0x400;
	[sflag:s20] =	ssyncset.done $0x0  }
0x7d: {  	s23 =	simm.s32 @!p0 $0x80;
	s25 =	simm.s32 @!p0 $0x6400;
	[sflag:s20] =	ssyncadd.s32 $0xFFFFF000  }
0x7e: {  	[tilespmem:s25], [sflag:$0x1] =	stream.indirect.gather @!p0 [hbm4b:s2+s23], $0x40, s22, s23, $0xb8;
	[tilespmem:$0x16400] =	vst v63  }
0x7f: {  	s22 =	simm.s32 @!p0 $0x480;
	s25 =	simm.s32 @!p0 $0x8400  }
0x80: {  	[tilespmem:s25], [sflag:$0x1] =	stream.indirect.gather @!p0 [hbm4b:s2+s23], $0x40, s22, s23, $0xb8;
	[tilespmem:$0x16400] =	vst v63  }
0x81: {  	s22 =	simm.s32 @!p0 $0x500;
	s25 =	simm.s32 @!p0 $0xA400  }
0x82: {  	[tilespmem:s25], [sflag:$0x1] =	stream.indirect.gather @!p0 [hbm4b:s2+s23], $0x40, s22, s23, $0xb8;
	[tilespmem:$0x16400] =	vst v63  }
0x83: {  	s22 =	simm.s32 $0x580;
	s25 =	simm.s32 @!p0 $0xC400  }
0x84: {  	[tilespmem:s25], [sflag:$0x1] =	stream.indirect.gather @!p0 [hbm4b:s2+s23], $0x40, s22, s23, $0xb8;
	[tilespmem:$0x16400] =	vst v63  }
0x85: {  	s26 =	sadd.s32 $0x1000, s24  }
0x86: {  	[hbm4b:s26+s19] =	stream.strided.scatter [tilespmem:s15], [sflag:$0x2], $0x1000, s7, s19, $0x38;
	[tilespmem:$0x16400] =	vst v63  }
0x87: {  	s29 =	sadd.s32 $0x1008, s24;
	s28 =	rddreg [dreg:$0x8]  }
0x88: {  	[hbm4b:s29+s19] =	stream.strided.scatter [tilespmem:s28], [sflag:$0x2], $0x1000, s7, s19, $0x38;
	[tilespmem:$0x16400] =	vst v63  }
0x89: {  	s30 =	sadd.s32 $0x1400, s24  }
0x8a: {  	[hbm4b:s30+s19] =	stream.strided.scatter [tilespmem:s16], [sflag:$0x2], $0x1000, s7, s19, $0x38;
	[tilespmem:$0x16400] =	vst v63  }
0x8b: {  	s31 =	rddreg [dreg:$0x9];
	s26 =	sadd.s32 $0x1408, s24  }
0x8c: {  	[hbm4b:s26+s19] =	stream.strided.scatter [tilespmem:s31], [sflag:$0x2], $0x1000, s7, s19, $0x38;
	[tilespmem:$0x16400] =	vst v63  }
0x8d: {  	s28 =	sadd.s32 $0x1800, s24  }
0x8e: {  	[hbm4b:s28+s19] =	stream.strided.scatter [tilespmem:s17], [sflag:$0x2], $0x1000, s7, s19, $0x38;
	[tilespmem:$0x16400] =	vst v63  }
0x8f: {  	s23 =	simm.s32 $0x2000;
	s29 =	rddreg [dreg:$0xa];
	s30 =	sadd.s32 $0x1808, s24  }
0x90: {  	[hbm4b:s30+s19] =	stream.strided.scatter [tilespmem:s29], [sflag:$0x2], $0x1000, s7, s19, $0x38;
	[tilespmem:$0x16400] =	vst v63  }
0x91: {  	s25 =	sadd.s32 $0x1C08, s24;
	s31 =	sadd.s32 $0x1C00, s24;
	s26 =	rddreg [dreg:$0xb]  }
0x92: {  	[hbm4b:s31+s19] =	stream.strided.scatter [tilespmem:s18], [sflag:$0x2], $0x1000, s7, s19, $0x38;
	[tilespmem:$0x16400] =	vst v63  }
.LBB2_2:
0x93: {  	[hbm4b:s25+s19] =	stream.strided.scatter [tilespmem:s26], [sflag:$0x2], $0x1000, s7, s19, $0x38;
	[tilespmem:$0x16400] =	vst v63  }
0x94: {  	_ =	swait.ge [sflag:s14], $0x2000  }
0x95: {  	[sflag:s14] =	ssyncset.done $0x0  }
0x96: {  	[sflag:s14] =	ssyncadd.s32 $0xFFFFE000  }
0x97: {  	_ =	swait.ge [sflag:s14], $0x2000  }
0x98: {  	[sflag:s14] =	ssyncset.done $0x0  }
0x99: {  	[sflag:s14] =	ssyncadd.s32 $0xFFFFE000  }
0x9a: {  	_ =	swait.ge [sflag:s14], $0x2000  }
0x9b: {  	[sflag:s14] =	ssyncset.done $0x0  }
0x9c: {  	[sflag:s14] =	ssyncadd.s32 $0xFFFFE000  }
0x9d: {  	s24 =	smov.u32 s23;
	_ =	swait.ge [sflag:s14], $0x2000  }
0x9e: {  	p1 =	seq.s32 s24, $0x0;
	[sflag:s14] =	ssyncset.done $0x0  }
0x9f: {  	s25 =	simm.s32 @!p1 $0x2;
	[sflag:s14] =	ssyncadd.s32 $0xFFFFE000  }
0xa0: {  	_ =	swait.ge @!p1 [sflag:s25], $0x1000  }
0xa1: {  	[sflag:s25] =	ssyncset.done @!p1 $0x0  }
0xa2: {  	[sflag:s25] =	ssyncadd.s32 @!p1 $0xFFFFF000  }
0xa3: {  	_ =	swait.ge @!p1 [sflag:s25], $0x1000  }
0xa4: {  	[sflag:s25] =	ssyncset.done @!p1 $0x0  }
0xa5: {  	[sflag:s25] =	ssyncadd.s32 @!p1 $0xFFFFF000  }
0xa6: {  	_ =	swait.ge @!p1 [sflag:s25], $0x1000  }
0xa7: {  	[sflag:s25] =	ssyncset.done @!p1 $0x0  }
0xa8: {  	[sflag:s25] =	ssyncadd.s32 @!p1 $0xFFFFF000  }
0xa9: {  	_ =	swait.ge @!p1 [sflag:s25], $0x1000  }
0xaa: {  	[sflag:s25] =	ssyncset.done @!p1 $0x0  }
0xab: {  	[sflag:s25] =	ssyncadd.s32 @!p1 $0xFFFFF000  }
0xac: {  	_ =	swait.ge @!p1 [sflag:s25], $0x1000  }
0xad: {  	[sflag:s25] =	ssyncset.done @!p1 $0x0  }
0xae: {  	[sflag:s25] =	ssyncadd.s32 @!p1 $0xFFFFF000  }
0xaf: {  	_ =	swait.ge @!p1 [sflag:s25], $0x1000  }
0xb0: {  	[sflag:s25] =	ssyncset.done @!p1 $0x0  }
0xb1: {  	[sflag:s25] =	ssyncadd.s32 @!p1 $0xFFFFF000  }
0xb2: {  	_ =	swait.ge @!p1 [sflag:s25], $0x1000  }
0xb3: {  	[sflag:s25] =	ssyncset.done @!p1 $0x0  }
0xb4: {  	[sflag:s25] =	ssyncadd.s32 @!p1 $0xFFFFF000  }
0xb5: {  	_ =	swait.ge @!p1 [sflag:s25], $0x1000  }
0xb6: {  	s22 =	sadd.s32 $0x400, s22;
	[sflag:s25] =	ssyncset.done @!p1 $0x0  }
0xb7: {  	s30 =	sadd.s32 $0xFFFFFC80, s22;
	[sflag:s25] =	ssyncadd.s32 @!p1 $0xFFFFF000  }
0xb8: {  	[tilespmem:s15], [sflag:$0x1] =	stream.indirect.gather [hbm4b:s2+s7], $0x40, s30, s7, $0xb8;
	[tilespmem:$0x16400] =	vst v63  }
0xb9: {  	s31 =	sadd.s32 $0xFFFFFD00, s22  }
0xba: {  	[tilespmem:s16], [sflag:$0x1] =	stream.indirect.gather [hbm4b:s2+s7], $0x40, s31, s7, $0xb8;
	[tilespmem:$0x16400] =	vst v63  }
0xbb: {  	s26 =	sadd.s32 $0xFFFFFD80, s22  }
0xbc: {  	[tilespmem:s17], [sflag:$0x1] =	stream.indirect.gather [hbm4b:s2+s7], $0x40, s26, s7, $0xb8;
	[tilespmem:$0x16400] =	vst v63  }
0xbd: {  	s29 =	sadd.s32 $0xFFFFFE00, s22;
	s28 =	rddreg [dreg:$0x3]  }
0xbe: {  	[tilespmem:s18], [sflag:$0x1] =	stream.indirect.gather [hbm4b:s2+s7], $0x40, s29, s7, $0xb8;
	[tilespmem:$0x16400] =	vst v63  }
0xbf: {  	s26 =	sadd.s32 s24, s28  }
0xc0: {  	[hbm4b:s26+s19] =	stream.strided.scatter [tilespmem:s8], [sflag:$0x2], $0x1000, s7, s19, $0x38;
	[tilespmem:$0x16400] =	vst v63  }
0xc1: {  	s28 =	rddreg [dreg:$0x4];
	s29 =	sadd.s32 $0x8, s26  }
0xc2: {  	[hbm4b:s29+s19] =	stream.strided.scatter [tilespmem:s28], [sflag:$0x2], $0x1000, s7, s19, $0x38;
	[tilespmem:$0x16400] =	vst v63  }
0xc3: {  	s30 =	sadd.s32 $0x400, s26  }
0xc4: {  	[hbm4b:s30+s19] =	stream.strided.scatter [tilespmem:s9], [sflag:$0x2], $0x1000, s7, s19, $0x38;
	[tilespmem:$0x16400] =	vst v63  }
0xc5: {  	s31 =	rddreg [dreg:$0x5];
	s30 =	sadd.s32 $0x408, s26  }
0xc6: {  	[hbm4b:s30+s19] =	stream.strided.scatter [tilespmem:s31], [sflag:$0x2], $0x1000, s7, s19, $0x38;
	[tilespmem:$0x16400] =	vst v63  }
0xc7: {  	s31 =	sadd.s32 $0x800, s26  }
0xc8: {  	[hbm4b:s31+s19] =	stream.strided.scatter [tilespmem:s11], [sflag:$0x2], $0x1000, s7, s19, $0x38;
	[tilespmem:$0x16400] =	vst v63  }
0xc9: {  	s30 =	rddreg [dreg:$0x6];
	s31 =	sadd.s32 $0x808, s26  }
0xca: {  	[hbm4b:s31+s19] =	stream.strided.scatter [tilespmem:s30], [sflag:$0x2], $0x1000, s7, s19, $0x38;
	[tilespmem:$0x16400] =	vst v63  }
0xcb: {  	s30 =	sadd.s32 $0xC00, s26  }
0xcc: {  	[hbm4b:s30+s19] =	stream.strided.scatter [tilespmem:s13], [sflag:$0x2], $0x1000, s7, s19, $0x38;
	[tilespmem:$0x16400] =	vst v63  }
0xcd: {  	s31 =	rddreg [dreg:$0x7];
	s30 =	sadd.s32 $0xC08, s26  }
0xce: {  	[hbm4b:s30+s19] =	stream.strided.scatter [tilespmem:s31], [sflag:$0x2], $0x1000, s7, s19, $0x38;
	[tilespmem:$0x16400] =	vst v63  }
0xcf: {  	_ =	swait.ge [sflag:s14], $0x2000  }
0xd0: {  	[sflag:s14] =	ssyncset.done $0x0  }
0xd1: {  	[sflag:s14] =	ssyncadd.s32 $0xFFFFE000  }
0xd2: {  	_ =	swait.ge [sflag:s14], $0x2000  }
0xd3: {  	[sflag:s14] =	ssyncset.done $0x0  }
0xd4: {  	[sflag:s14] =	ssyncadd.s32 $0xFFFFE000  }
0xd5: {  	_ =	swait.ge [sflag:s14], $0x2000  }
0xd6: {  	[sflag:s14] =	ssyncset.done $0x0  }
0xd7: {  	[sflag:s14] =	ssyncadd.s32 $0xFFFFE000  }
0xd8: {  	_ =	swait.ge [sflag:s14], $0x2000  }
0xd9: {  	[sflag:s14] =	ssyncset.done $0x0  }
0xda: {  	[sflag:s14] =	ssyncadd.s32 $0xFFFFE000  }
0xdb: {  	_ =	swait.ge [sflag:s20], $0x1000  }
0xdc: {  	[sflag:s20] =	ssyncset.done $0x0  }
0xdd: {  	[sflag:s20] =	ssyncadd.s32 $0xFFFFF000  }
0xde: {  	_ =	swait.ge [sflag:s20], $0x1000  }
0xdf: {  	[sflag:s20] =	ssyncset.done $0x0  }
0xe0: {  	[sflag:s20] =	ssyncadd.s32 $0xFFFFF000  }
0xe1: {  	_ =	swait.ge [sflag:s20], $0x1000  }
0xe2: {  	[sflag:s20] =	ssyncset.done $0x0  }
0xe3: {  	[sflag:s20] =	ssyncadd.s32 $0xFFFFF000  }
0xe4: {  	_ =	swait.ge [sflag:s20], $0x1000  }
0xe5: {  	[sflag:s20] =	ssyncset.done $0x0  }
0xe6: {  	[sflag:s20] =	ssyncadd.s32 $0xFFFFF000  }
0xe7: {  	_ =	swait.ge [sflag:s20], $0x1000  }
0xe8: {  	[sflag:s20] =	ssyncset.done $0x0  }
0xe9: {  	[sflag:s20] =	ssyncadd.s32 $0xFFFFF000  }
0xea: {  	_ =	swait.ge [sflag:s20], $0x1000  }
0xeb: {  	[sflag:s20] =	ssyncset.done $0x0  }
0xec: {  	[sflag:s20] =	ssyncadd.s32 $0xFFFFF000  }
0xed: {  	_ =	swait.ge [sflag:s20], $0x1000  }
0xee: {  	[sflag:s20] =	ssyncset.done $0x0  }
0xef: {  	[sflag:s20] =	ssyncadd.s32 $0xFFFFF000  }
0xf0: {  	p1 =	seq.s32 s24, $0x30000;
	_ =	swait.ge [sflag:s20], $0x1000  }
0xf1: {  	s24 =	sadd.s32 @!p1 $0xFFFFFE80, s22;
	[sflag:s20] =	ssyncset.done $0x0  }
0xf2: {  	s28 =	simm.s32 @!p1 $0x80;
	s29 =	simm.s32 @!p1 $0x6400;
	[sflag:s20] =	ssyncadd.s32 $0xFFFFF000  }
0xf3: {  	[tilespmem:s29], [sflag:$0x1] =	stream.indirect.gather @!p1 [hbm4b:s2+s28], $0x40, s24, s28, $0xb8;
	[tilespmem:$0x16400] =	vst v63  }
0xf4: {  	s30 =	sadd.s32 @!p1 $0xFFFFFF00, s22;
	s31 =	simm.s32 @!p1 $0x8400  }
0xf5: {  	[tilespmem:s31], [sflag:$0x1] =	stream.indirect.gather @!p1 [hbm4b:s2+s28], $0x40, s30, s28, $0xb8;
	[tilespmem:$0x16400] =	vst v63  }
0xf6: {  	s24 =	sadd.s32 @!p1 $0xFFFFFF80, s22;
	s29 =	simm.s32 @!p1 $0xA400  }
0xf7: {  	[tilespmem:s29], [sflag:$0x1] =	stream.indirect.gather @!p1 [hbm4b:s2+s28], $0x40, s24, s28, $0xb8;
	[tilespmem:$0x16400] =	vst v63  }
0xf8: {  	s30 =	simm.s32 @!p1 $0xC400  }
0xf9: {  	[tilespmem:s30], [sflag:$0x1] =	stream.indirect.gather @!p1 [hbm4b:s2+s28], $0x40, s22, s28, $0xb8;
	[tilespmem:$0x16400] =	vst v63  }
0xfa: {  	s31 =	sadd.s32 $0x1000, s26  }
0xfb: {  	[hbm4b:s31+s19] =	stream.strided.scatter [tilespmem:s15], [sflag:$0x2], $0x1000, s7, s19, $0x38;
	[tilespmem:$0x16400] =	vst v63  }
0xfc: {  	s29 =	rddreg [dreg:$0x8];
	s30 =	sadd.s32 $0x1008, s26  }
0xfd: {  	[hbm4b:s30+s19] =	stream.strided.scatter [tilespmem:s29], [sflag:$0x2], $0x1000, s7, s19, $0x38;
	[tilespmem:$0x16400] =	vst v63  }
0xfe: {  	s31 =	sadd.s32 $0x1400, s26  }
0xff: {  	[hbm4b:s31+s19] =	stream.strided.scatter [tilespmem:s16], [sflag:$0x2], $0x1000, s7, s19, $0x38;
	[tilespmem:$0x16400] =	vst v63  }
0x100: {  	s23 =	sadd.s32 $0x2000, s23;
	s29 =	rddreg [dreg:$0x9];
	s30 =	sadd.s32 $0x1408, s26  }
0x101: {  	[hbm4b:s30+s19] =	stream.strided.scatter [tilespmem:s29], [sflag:$0x2], $0x1000, s7, s19, $0x38;
	[tilespmem:$0x16400] =	vst v63  }
0x102: {  	p0 =	sne.s32 s23, $0x32000;
	s31 =	sadd.s32 $0x1800, s26  }
0x103: {  	[hbm4b:s31+s19] =	stream.strided.scatter [tilespmem:s17], [sflag:$0x2], $0x1000, s7, s19, $0x38;
	[tilespmem:$0x16400] =	vst v63  }
.Ltmp0:
0x104: {  	_ = 	snop;
	(pc) =	sbr.rel @p0 .LBB2_2-.Ltmp0, $4  }
0x105: {  	s29 =	rddreg [dreg:$0xa];
	s30 =	sadd.s32 $0x1808, s26  }
0x106: {  	[hbm4b:s30+s19] =	stream.strided.scatter [tilespmem:s29], [sflag:$0x2], $0x1000, s7, s19, $0x38;
	[tilespmem:$0x16400] =	vst v63  }
0x107: {  	s25 =	sadd.s32 $0x1C08, s26;
	s31 =	sadd.s32 $0x1C00, s26;
	s26 =	rddreg [dreg:$0xb]  }
0x108: {  	[hbm4b:s31+s19] =	stream.strided.scatter [tilespmem:s18], [sflag:$0x2], $0x1000, s7, s19, $0x38;
	[tilespmem:$0x16400] =	vst v63  }
0x109: {  	[hbm4b:s25+s19] =	stream.strided.scatter [tilespmem:s26], [sflag:$0x2], $0x1000, s7, s19, $0x38;
	[tilespmem:$0x16400] =	vst v63  }
0x10a: {  	_ =	swait.ge [sflag:s20], $0x1000  }
0x10b: {  	[sflag:s20] =	ssyncset.done $0x0  }
0x10c: {  	[sflag:s20] =	ssyncadd.s32 $0xFFFFF000  }
0x10d: {  	_ =	swait.ge [sflag:s20], $0x1000  }
0x10e: {  	[sflag:s20] =	ssyncset.done $0x0  }
0x10f: {  	[sflag:s20] =	ssyncadd.s32 $0xFFFFF000  }
0x110: {  	_ =	swait.ge [sflag:s20], $0x1000  }
0x111: {  	[sflag:s20] =	ssyncset.done $0x0  }
0x112: {  	[sflag:s20] =	ssyncadd.s32 $0xFFFFF000  }
0x113: {  	_ =	swait.ge [sflag:s20], $0x1000  }
0x114: {  	[sflag:s20] =	ssyncset.done $0x0  }
0x115: {  	[sflag:s20] =	ssyncadd.s32 $0xFFFFF000  }
0x116: {  	_ =	swait.ge [sflag:s20], $0x1000  }
0x117: {  	[sflag:s20] =	ssyncset.done $0x0  }
0x118: {  	[sflag:s20] =	ssyncadd.s32 $0xFFFFF000  }
0x119: {  	_ =	swait.ge [sflag:s20], $0x1000  }
0x11a: {  	[sflag:s20] =	ssyncset.done $0x0  }
0x11b: {  	s21 =	sadd.s32 $0x1, s21;
	[sflag:s20] =	ssyncadd.s32 $0xFFFFF000  }
0x11c: {  	p0 =	sne.s32 s21, s5;
	_ =	swait.ge [sflag:s20], $0x1000  }
.Ltmp1:
0x11d: {  	[sflag:s20] =	ssyncset.done $0x0;
	(pc) =	sbr.rel @p0 .LBB2_1-.Ltmp1, $4  }
0x11e: {  	[sflag:s20] =	ssyncadd.s32 $0xFFFFF000  }
0x11f: {  	_ =	swait.ge [sflag:s20], $0x1000  }
0x120: {  	[sflag:s20] =	ssyncset.done $0x0  }
0x121: {  	[sflag:s20] =	ssyncadd.s32 $0xFFFFF000  }
0x122: {  	_ =	sfence.sel $0x180000  }
0x123: {  	[bflag:$0x0] =	sbarrier.arrive $0xFFFF  }
0x124: {  	p0 =	sne.s32 s0, $0x0;
	_ =	strace $0x90000047  }
0x125: {  	s0 =	sadd.s32 @!p0 $0x100000, s1;
	[bflag:$0x2] =	sbarrier.arrive $0xFFFF  }
0x126: {  	[sflag:s0] =	ssyncadd.tile.s32 @!p0 $0x1;
	_ =	shalt  }
.Lfunc_end2:
_tile_overlayer_lowered:
.L_overlay_start_2:
0x127: {  	(tag) =	ssettag $0x2  }
0x128: {  	s0 =	rddreg [dreg:$0x0];
	s2 =	stileid.u32  }
0x129: {  	s1 =	rddreg [dreg:$0x1];
	p0 =	sne.s32 s2, $0x0  }
0x12a: {  	s3 =	rddreg [dreg:$0x2];
	[bflag:$0x3] =	sbarrier.arrive $0xFFFF;
	s2 =	simm.s32 @!p0 $0x1C03  }
0x12b: {  	[timem:s3], [sflag:s2] =	dma.local @!p0 [hbm:s0], s1  }
0x12c: {  	s0 =	simm.s32 @!p0 $0x3  }
0x12d: {  	_ =	swait.ge @!p0 [sflag:s0], s1  }
0x12e: {  	s1 =	ssub.s32 @!p0 $0x0, s1;
	[sflag:s0] =	ssyncset.done @!p0 $0x0  }
0x12f: {  	[sflag:s0] =	ssyncadd.s32 @!p0 s1  }
0x130: {  	[bflag:$0x3] =	sbarrier.arrive $0xFFFF  }
0x131: {  	_ =	shalt  }

</sc_bundles>
